<compile_context>
chip_gen: v7x
topology: tpu7x:2x2x1
jax: 0.10.2.dev20260603
libtpu: 0.0.44.dev20260713+nightly
codegen_flags: <defaults>
</compile_context>

<pallas_src>
import functools

import jax
import jax.numpy as jnp
from jax import lax
from jax.experimental import pallas as pl
from jax.experimental.pallas import tpu as pltpu
from jax.experimental.pallas import tpu_sc as plsc

N, E, D, G, OUT = 10000, 640000, 128, 64, 2
NP = 10240
NC, NS, L = 2, 16, 16
NW = NC * NS
NPT = NP // NS
XB = 2048
BN_SCALE = 1.0 / (1.0 + 1e-5) ** 0.5

BCH = 156
NLONG_AT = 24
EPTM = 157 * 128
EHA = 79 * 128
EHB = 78 * 128


def _rsqrt16(d):
    i = plsc.bitcast(d, jnp.int32)
    i = jnp.full((L,), 0x5F3759DF, jnp.int32) - (i >> 1)
    y = plsc.bitcast(i, jnp.float32)
    for _ in range(3):
        y = y * (1.5 - 0.5 * d * y * y)
    return y


def _tile_window(cid, sid):
    tile = cid * NS + sid
    extra = jnp.maximum(tile - NLONG_AT, 0)
    base = (BCH * tile + extra) * 128
    return base, tile < NLONG_AT


def _deg_body(ei_hbm, out_hbm, eidx_v, idxdA, idxdB, ones_v, zb_v, deg_sh,
              semA, semB):
    cid = lax.axis_index("c")
    sid = lax.axis_index("s")
    base, is_short = _tile_window(cid, sid)

    cp = pltpu.async_copy(ei_hbm.at[:, pl.ds(base, EPTM)], eidx_v, semA)

    @pl.loop(0, NPT // L, unroll=8)
    def _(j):
        zb_v[pl.ds(j * L, L)] = jnp.zeros((L,), jnp.float32)

    pltpu.sync_copy(zb_v, deg_sh.at[pl.ds(sid * NPT, NPT)])

    @pl.loop(0, EPTM // L, unroll=8)
    def _(j):
        ones_v[pl.ds(j * L, L)] = jnp.full((L,), 1.0, jnp.float32)

    @pl.when(is_short)
    def _():
        for j in range(128 // L):
            ones_v[pl.ds(EPTM - 128 + j * L, L)] = jnp.zeros((L,), jnp.float32)

    cp.wait()
    plsc.subcore_barrier()

    @pl.loop(0, EHA // L, unroll=8)
    def _(j):
        sl = pl.ds(j * L, L)
        idxdA[sl] = eidx_v[1, sl]

    scatA = pltpu.async_copy(ones_v.at[pl.ds(0, EHA)], deg_sh.at[idxdA],
                             semA, add=True)

    @pl.loop(0, EHB // L, unroll=8)
    def _(j):
        sl = pl.ds(j * L, L)
        idxdB[sl] = eidx_v[1, pl.ds(EHA + j * L, L)]

    scatB = pltpu.async_copy(ones_v.at[pl.ds(EHA, EHB)], deg_sh.at[idxdB],
                             semB, add=True)
    scatA.wait()
    scatB.wait()
    plsc.subcore_barrier()
    pltpu.sync_copy(deg_sh.at[pl.ds(sid * NPT, NPT)],
                    out_hbm.at[cid, pl.ds(sid * NPT, NPT)])


def _agg_body(ei_hbm, h_hbm, degp_hbm, out_hbm, g_hbm,
              scrA, scrB, idxdA, idxdB, valsA, valsB, g_loc,
              d0_v, d1_v, h_v, g_v, zb_v, agg_sh, semA, semB):
    cid = lax.axis_index("c")
    sid = lax.axis_index("s")
    base, is_short = _tile_window(cid, sid)
    nbase = sid * NPT

    cpA = pltpu.async_copy(ei_hbm.at[:, pl.ds(base, EHA)], scrA, semA)
    cpB = pltpu.async_copy(ei_hbm.at[:, pl.ds(base + EHA, EHB)], scrB,
                           semB)

    @pl.loop(0, NPT // L, unroll=8)
    def _(j):
        zb_v[pl.ds(j * L, L)] = jnp.zeros((L,), jnp.float32)

    pltpu.sync_copy(zb_v, agg_sh.at[pl.ds(nbase, NPT)])

    pltpu.sync_copy(degp_hbm.at[0, pl.ds(nbase, NPT)], d0_v)
    pltpu.sync_copy(degp_hbm.at[1, pl.ds(nbase, NPT)], d1_v)
    pltpu.sync_copy(h_hbm.at[pl.ds(nbase, NPT)], h_v)

    @pl.loop(0, NPT // L, unroll=4)
    def _(j):
        sl = pl.ds(j * L, L)
        d = d0_v[sl] + d1_v[sl] + 1.0
        g_v[sl] = h_v[sl] * _rsqrt16(d)

    pltpu.sync_copy(g_v, g_hbm.at[cid, pl.ds(nbase, NPT)])
    cpA.wait()
    cpB.wait()
    plsc.subcore_barrier()
    pltpu.sync_copy(g_hbm.at[cid], g_loc)

    @pl.loop(0, EHA // L, unroll=8)
    def _(j):
        sl = pl.ds(j * L, L)
        valsA[sl] = plsc.load_gather(g_loc, [scrA[0, sl]])
        idxdA[sl] = scrA[1, sl]

    scatA = pltpu.async_copy(valsA, agg_sh.at[idxdA], semA, add=True)

    @pl.loop(0, EHB // L, unroll=8)
    def _(j):
        sl = pl.ds(j * L, L)
        valsB[sl] = plsc.load_gather(g_loc, [scrB[0, sl]])
        idxdB[sl] = scrB[1, sl]

    @pl.when(is_short)
    def _():
        for j in range(128 // L):
            valsB[pl.ds(EHB - 128 + j * L, L)] = jnp.zeros((L,), jnp.float32)

    scatB = pltpu.async_copy(valsB, agg_sh.at[idxdB], semB, add=True)
    scatA.wait()
    scatB.wait()
    plsc.subcore_barrier()
    pltpu.sync_copy(agg_sh.at[pl.ds(nbase, NPT)],
                    out_hbm.at[cid, pl.ds(nbase, NPT)])


@functools.lru_cache(maxsize=1)
def _sc_kernels():
    mesh = plsc.VectorSubcoreMesh(core_axis_name="c", subcore_axis_name="s",
                                  num_cores=NC, num_subcores=NS)
    params = pltpu.CompilerParams(needs_layout_passes=False)
    deg_kernel = pl.kernel(
        _deg_body,
        compiler_params=params,
        out_type=jax.ShapeDtypeStruct((NC, NP), jnp.float32),
        mesh=mesh,
        scratch_types=[
            pltpu.VMEM((2, EPTM), jnp.int32),
            pltpu.VMEM((EHA,), jnp.int32),
            pltpu.VMEM((EHB,), jnp.int32),
            pltpu.VMEM((EPTM,), jnp.float32),
            pltpu.VMEM((NPT,), jnp.float32),
            pltpu.VMEM_SHARED((NP,), jnp.float32),
            pltpu.SemaphoreType.DMA,
            pltpu.SemaphoreType.DMA,
        ],
    )
    agg_kernel = pl.kernel(
        _agg_body,
        compiler_params=params,
        out_type=[jax.ShapeDtypeStruct((NC, NP), jnp.float32),
                  jax.ShapeDtypeStruct((NC, NP), jnp.float32)],
        mesh=mesh,
        scratch_types=[
            pltpu.VMEM((2, EHA), jnp.int32),
            pltpu.VMEM((2, EHB), jnp.int32),
            pltpu.VMEM((EHA,), jnp.int32),
            pltpu.VMEM((EHB,), jnp.int32),
            pltpu.VMEM((EHA,), jnp.float32),
            pltpu.VMEM((EHB,), jnp.float32),
            pltpu.VMEM((NP,), jnp.float32),
            pltpu.VMEM((NPT,), jnp.float32),
            pltpu.VMEM((NPT,), jnp.float32),
            pltpu.VMEM((NPT,), jnp.float32),
            pltpu.VMEM((NPT,), jnp.float32),
            pltpu.VMEM((NPT,), jnp.float32),
            pltpu.VMEM_SHARED((NP,), jnp.float32),
            pltpu.SemaphoreType.DMA,
            pltpu.SemaphoreType.DMA,
        ],
    )
    return deg_kernel, agg_kernel


def _c1_body(x_ref, w_ref, h_ref):
    i = pl.program_id(0)
    h = jnp.dot(x_ref[...], w_ref[...], preferred_element_type=jnp.float32)[:, 0]
    row = i * XB + lax.broadcasted_iota(jnp.int32, (XB,), 0)
    h_ref[...] = jnp.where(row < N, h, 0.0)


_c1_call = pl.pallas_call(
    _c1_body,
    grid=(NP // XB,),
    in_specs=[
        pl.BlockSpec((XB, D), lambda i: (i, 0)),
        pl.BlockSpec((D, 1), lambda i: (0, 0)),
    ],
    out_specs=pl.BlockSpec((XB,), lambda i: (i,)),
    out_shape=jax.ShapeDtypeStruct((NP,), jnp.float32),
)


def _e_body(degp_ref, h_ref, aggp_ref, batch_ref, bgcn_ref, w1_ref, b1_ref,
            gam_ref, bet_ref, w2_ref, b2_ref, out_ref):
    deg = degp_ref[0, :] + degp_ref[1, :] + 1.0
    dinv = lax.rsqrt(deg)
    g = h_ref[...] * dinv
    s = aggp_ref[0, :] + aggp_ref[1, :]
    z = jnp.maximum(dinv * (s + g) + bgcn_ref[0], 0.0)
    grp = lax.broadcasted_iota(jnp.int32, (NP, G), 1)
    m = (batch_ref[...][:, None] == grp).astype(jnp.float32)
    sums = jnp.dot(z[None, :], m, preferred_element_type=jnp.float32)[0]
    counts = jnp.sum(m, axis=0)
    pooled = sums / jnp.maximum(counts, 1.0)
    t = pooled * w1_ref[0, 0] + b1_ref[0]
    t = t * (gam_ref[0] * BN_SCALE) + bet_ref[0]
    t = jnp.maximum(t, 0.0)
    o = t[:, None] * w2_ref[...] + b2_ref[...][None, :]
    out_ref[...] = jax.nn.sigmoid(o)


_e_call = pl.pallas_call(
    _e_body,
    out_shape=jax.ShapeDtypeStruct((G, OUT), jnp.float32),
)


def kernel(x, edge_index, batch, W_gcn, b_gcn, W1, b1, bn_gamma, bn_beta, W2, b2):
    batch_pad = jnp.concatenate([batch, jnp.full((NP - N,), G + 63, jnp.int32)])
    deg_kernel, agg_kernel = _sc_kernels()
    h = _c1_call(x, W_gcn)
    degp = deg_kernel(edge_index)
    aggp, _ = agg_kernel(edge_index, h, degp)
    return _e_call(degp, h, aggp, batch_pad, b_gcn, W1, b1, bn_gamma,
                   bn_beta, W2, b2)

# --- scband reference (transcript-rebuilt; emitter-appended) ---
"""Pipeline reference for scband-dis-87677462381194 (READ-ONLY COPY).

The authoritative reference and input builder live on the scoring server;
editing this copy changes nothing except your own understanding.
"""

import jax, jax.numpy as jnp
import numpy as np

N = 10000
E = 640000
D = 128
H = 1
G = 64
OUT = 2


def setup_inputs(seed: int = 0) -> dict:
    key = jax.random.key(seed)
    ks = jax.random.split(key, 10)
    x = jax.random.normal(ks[0], (N, D), dtype=jnp.float32)
    edge_index = jax.random.randint(ks[1], (2, E), 0, N, dtype=jnp.int32)
    batch = jnp.sort(jax.random.randint(ks[2], (N,), 0, G, dtype=jnp.int32))
    # GCNConv params (lin bias=False, separate bias added post-aggregation)
    W_gcn = jax.random.normal(ks[3], (D, H), dtype=jnp.float32) / np.sqrt(D)
    b_gcn = jnp.zeros((H,), dtype=jnp.float32)
    # MLP(in=1, hidden=1, out=2, num_layers=2): Linear(1,1) -> BN(1) -> ReLU -> Linear(1,2)
    W1 = jax.random.normal(ks[4], (1, H), dtype=jnp.float32)
    b1 = jnp.zeros((H,), dtype=jnp.float32)
    bn_gamma = jnp.ones((H,), dtype=jnp.float32)
    bn_beta = jnp.zeros((H,), dtype=jnp.float32)
    W2 = jax.random.normal(ks[5], (H, OUT), dtype=jnp.float32)
    b2 = jnp.zeros((OUT,), dtype=jnp.float32)
    return {"x": x, "edge_index": edge_index, "batch": batch, "W_gcn": W_gcn,
            "b_gcn": b_gcn, "W1": W1, "b1": b1, "bn_gamma": bn_gamma,
            "bn_beta": bn_beta, "W2": W2, "b2": b2}


def reference(x, edge_index, batch, W_gcn, b_gcn, W1, b1, bn_gamma, bn_beta, W2, b2):
    n = x.shape[0]
    # GCNConv: linear first, then symmetric-normalized propagation with self-loops
    h = x @ W_gcn
    loop = jnp.arange(n, dtype=edge_index.dtype)
    src = jnp.concatenate([edge_index[0], loop])
    dst = jnp.concatenate([edge_index[1], loop])
    deg = jnp.zeros((n,), dtype=jnp.float32).at[dst].add(1.0)
    dinv = jnp.where(deg > 0, 1.0 / jnp.sqrt(deg), 0.0)
    norm = dinv[src] * dinv[dst]
    msg = h[src] * norm[:, None]
    agg = jnp.zeros((n, h.shape[1]), dtype=jnp.float32).at[dst].add(msg)
    z = jax.nn.relu(agg + b_gcn)
    # gap = global_mean_pool over batch assignment
    counts = jnp.zeros((G,), dtype=jnp.float32).at[batch].add(1.0)
    summed = jnp.zeros((G, z.shape[1]), dtype=jnp.float32).at[batch].add(z)
    pooled = summed / jnp.clip(counts, 1.0)[:, None]
    # MLP (eval-mode batch norm with running stats mean=0, var=1)
    t = pooled @ W1 + b1
    t = (t / jnp.sqrt(1.0 + 1e-5)) * bn_gamma + bn_beta
    t = jax.nn.relu(t)
    out = t @ W2 + b2
    return jax.nn.sigmoid(out)

if __name__ == "__main__":
    import jax
    _d = setup_inputs()
    print(jax.jit(kernel)(*tuple(_d.values())))

</pallas_src>

<mosaic_0001>
#map = affine_map<(d0, d1) -> (0, 0)>
module attributes {stable_mosaic.version = 14 : i64} {
  func.func @_deg_body(%arg0: i32, %arg1: i32, %arg2: memref<2x640000xi32, #tpu.memory_space<hbm>>, %arg3: memref<2x10240xf32, #tpu.memory_space<hbm>>, %arg4: memref<2x20096xi32, #tpu.memory_space<vmem>>, %arg5: memref<10112xi32, #tpu.memory_space<vmem>>, %arg6: memref<9984xi32, #tpu.memory_space<vmem>>, %arg7: memref<20096xf32, #tpu.memory_space<vmem>>, %arg8: memref<640xf32, #tpu.memory_space<vmem>>, %arg9: memref<10240xf32, #tpu.memory_space<vmem_shared>>, %arg10: memref<!tpu.dma_semaphore, #tpu.memory_space<semaphore_mem>>, %arg11: memref<!tpu.dma_semaphore, #tpu.memory_space<semaphore_mem>>) attributes {dimension_semantics = [#tpu.dimension_semantics<core_parallel>, #tpu.dimension_semantics<subcore_parallel>], iteration_bounds = array<i64: 2, 16>, scalar_prefetch = 0 : i64, scratch_operands = 8 : i64, tpu.core_type = #tpu.core_type<sc_vector_subcore>, window_params = [{transform_indices = #map}, {transform_indices = #map}]} {
    %mul3A = arith.constant 16 : i32
    %mul3A_0 = arith.muli %arg0, %mul3A : i32
    %add3A = arith.addi %mul3A_0, %arg1 : i32
    %sub3A = arith.constant 24 : i32
    %sub3A_1 = arith.subi %add3A, %sub3A : i32
    %max3A = arith.constant 0 : i32
    %max3A_2 = arith.maxsi %sub3A_1, %max3A : i32
    %mul3A_3 = arith.constant 156 : i32
    %mul3A_4 = arith.muli %mul3A_3, %add3A : i32
    %add3A_5 = arith.addi %mul3A_4, %max3A_2 : i32
    %mul3A_6 = arith.constant 128 : i32
    %mul3A_7 = arith.muli %add3A_5, %mul3A_6 : i32
    %lt3A = arith.constant 24 : i32
    %lt3A_8 = arith.cmpi slt, %add3A, %lt3A : i32
    %dma_start3A = arith.constant 0 : i32
    %dma_start3A_9 = tpu.memref_slice %arg2[%dma_start3A, %mul3A_7] : memref<2x640000xi32, #tpu.memory_space<hbm>> -> memref<2x20096xi32, #tpu.memory_space<hbm>>
    %dma_start3A_10 = arith.constant 0 : i32
    %dma_start3A_11 = tpu.memref_slice %arg2[%dma_start3A_10, %mul3A_7] : memref<2x640000xi32, #tpu.memory_space<hbm>> -> memref<2x20096xi32, #tpu.memory_space<hbm>>
    tpu.enqueue_dma source(%dma_start3A_11 : memref<2x20096xi32, #tpu.memory_space<hbm>>) target(%arg4 : memref<2x20096xi32, #tpu.memory_space<vmem>>) target_semaphore(%arg10 : memref<!tpu.dma_semaphore, #tpu.memory_space<semaphore_mem>>)
    %scan3A = arith.constant 0 : i32
    %scan3A_12 = arith.constant 40 : i32
    %scan3A_13 = arith.addi %scan3A, %scan3A_12 : i32
    %scan3A_14 = arith.constant 8 : i32
    scf.for %scan3A_58 = %scan3A to %scan3A_13 step %scan3A_14  : i32 {
      %mul3A_59 = arith.constant 1 : i32
      %mul3A_60 = arith.muli %scan3A_58, %mul3A_59 : i32
      %add3A_61 = arith.constant 0 : i32
      %add3A_62 = arith.addi %add3A_61, %mul3A_60 : i32
      %broadcast_in_dim3A = arith.constant 0.000000e+00 : f32
      %broadcast_in_dim3A_63 = vector.broadcast %broadcast_in_dim3A : f32 to vector<16xf32>
      %mul3A_64 = arith.constant 16 : i32
      %mul3A_65 = arith.muli %add3A_62, %mul3A_64 : i32
      %swap3A = arith.index_cast %mul3A_65 : i32 to index
      %swap3A_66 = tpu.vector_load %arg8[%swap3A] {strides = array<i32>} : memref<640xf32, #tpu.memory_space<vmem>>, vector<16xf32>,
      tpu.vector_store %arg8[%swap3A], %broadcast_in_dim3A_63 {strides = array<i32>} : memref<640xf32, #tpu.memory_space<vmem>>, vector<16xf32>,
      %scan3A_67 = arith.constant 1 : i32
      %scan3A_68 = arith.addi %scan3A_58, %scan3A_67 : i32
      %mul3A_69 = arith.constant 1 : i32
      %mul3A_70 = arith.muli %scan3A_68, %mul3A_69 : i32
      %add3A_71 = arith.constant 0 : i32
      %add3A_72 = arith.addi %add3A_71, %mul3A_70 : i32
      %broadcast_in_dim3A_73 = arith.constant 0.000000e+00 : f32
      %broadcast_in_dim3A_74 = vector.broadcast %broadcast_in_dim3A_73 : f32 to vector<16xf32>
      %mul3A_75 = arith.constant 16 : i32
      %mul3A_76 = arith.muli %add3A_72, %mul3A_75 : i32
      %swap3A_77 = arith.index_cast %mul3A_76 : i32 to index
      %swap3A_78 = tpu.vector_load %arg8[%swap3A_77] {strides = array<i32>} : memref<640xf32, #tpu.memory_space<vmem>>, vector<16xf32>,
      tpu.vector_store %arg8[%swap3A_77], %broadcast_in_dim3A_74 {strides = array<i32>} : memref<640xf32, #tpu.memory_space<vmem>>, vector<16xf32>,
      %scan3A_79 = arith.constant 2 : i32
      %scan3A_80 = arith.addi %scan3A_58, %scan3A_79 : i32
      %mul3A_81 = arith.constant 1 : i32
      %mul3A_82 = arith.muli %scan3A_80, %mul3A_81 : i32
      %add3A_83 = arith.constant 0 : i32
      %add3A_84 = arith.addi %add3A_83, %mul3A_82 : i32
      %broadcast_in_dim3A_85 = arith.constant 0.000000e+00 : f32
      %broadcast_in_dim3A_86 = vector.broadcast %broadcast_in_dim3A_85 : f32 to vector<16xf32>
      %mul3A_87 = arith.constant 16 : i32
      %mul3A_88 = arith.muli %add3A_84, %mul3A_87 : i32
      %swap3A_89 = arith.index_cast %mul3A_88 : i32 to index
      %swap3A_90 = tpu.vector_load %arg8[%swap3A_89] {strides = array<i32>} : memref<640xf32, #tpu.memory_space<vmem>>, vector<16xf32>,
      tpu.vector_store %arg8[%swap3A_89], %broadcast_in_dim3A_86 {strides = array<i32>} : memref<640xf32, #tpu.memory_space<vmem>>, vector<16xf32>,
      %scan3A_91 = arith.constant 3 : i32
      %scan3A_92 = arith.addi %scan3A_58, %scan3A_91 : i32
      %mul3A_93 = arith.constant 1 : i32
      %mul3A_94 = arith.muli %scan3A_92, %mul3A_93 : i32
      %add3A_95 = arith.constant 0 : i32
      %add3A_96 = arith.addi %add3A_95, %mul3A_94 : i32
      %broadcast_in_dim3A_97 = arith.constant 0.000000e+00 : f32
      %broadcast_in_dim3A_98 = vector.broadcast %broadcast_in_dim3A_97 : f32 to vector<16xf32>
      %mul3A_99 = arith.constant 16 : i32
      %mul3A_100 = arith.muli %add3A_96, %mul3A_99 : i32
      %swap3A_101 = arith.index_cast %mul3A_100 : i32 to index
      %swap3A_102 = tpu.vector_load %arg8[%swap3A_101] {strides = array<i32>} : memref<640xf32, #tpu.memory_space<vmem>>, vector<16xf32>,
      tpu.vector_store %arg8[%swap3A_101], %broadcast_in_dim3A_98 {strides = array<i32>} : memref<640xf32, #tpu.memory_space<vmem>>, vector<16xf32>,
      %scan3A_103 = arith.constant 4 : i32
      %scan3A_104 = arith.addi %scan3A_58, %scan3A_103 : i32
      %mul3A_105 = arith.constant 1 : i32
      %mul3A_106 = arith.muli %scan3A_104, %mul3A_105 : i32
      %add3A_107 = arith.constant 0 : i32
      %add3A_108 = arith.addi %add3A_107, %mul3A_106 : i32
      %broadcast_in_dim3A_109 = arith.constant 0.000000e+00 : f32
      %broadcast_in_dim3A_110 = vector.broadcast %broadcast_in_dim3A_109 : f32 to vector<16xf32>
      %mul3A_111 = arith.constant 16 : i32
      %mul3A_112 = arith.muli %add3A_108, %mul3A_111 : i32
      %swap3A_113 = arith.index_cast %mul3A_112 : i32 to index
      %swap3A_114 = tpu.vector_load %arg8[%swap3A_113] {strides = array<i32>} : memref<640xf32, #tpu.memory_space<vmem>>, vector<16xf32>,
      tpu.vector_store %arg8[%swap3A_113], %broadcast_in_dim3A_110 {strides = array<i32>} : memref<640xf32, #tpu.memory_space<vmem>>, vector<16xf32>,
      %scan3A_115 = arith.constant 5 : i32
      %scan3A_116 = arith.addi %scan3A_58, %scan3A_115 : i32
      %mul3A_117 = arith.constant 1 : i32
      %mul3A_118 = arith.muli %scan3A_116, %mul3A_117 : i32
      %add3A_119 = arith.constant 0 : i32
      %add3A_120 = arith.addi %add3A_119, %mul3A_118 : i32
      %broadcast_in_dim3A_121 = arith.constant 0.000000e+00 : f32
      %broadcast_in_dim3A_122 = vector.broadcast %broadcast_in_dim3A_121 : f32 to vector<16xf32>
      %mul3A_123 = arith.constant 16 : i32
      %mul3A_124 = arith.muli %add3A_120, %mul3A_123 : i32
      %swap3A_125 = arith.index_cast %mul3A_124 : i32 to index
      %swap3A_126 = tpu.vector_load %arg8[%swap3A_125] {strides = array<i32>} : memref<640xf32, #tpu.memory_space<vmem>>, vector<16xf32>,
      tpu.vector_store %arg8[%swap3A_125], %broadcast_in_dim3A_122 {strides = array<i32>} : memref<640xf32, #tpu.memory_space<vmem>>, vector<16xf32>,
      %scan3A_127 = arith.constant 6 : i32
      %scan3A_128 = arith.addi %scan3A_58, %scan3A_127 : i32
      %mul3A_129 = arith.constant 1 : i32
      %mul3A_130 = arith.muli %scan3A_128, %mul3A_129 : i32
      %add3A_131 = arith.constant 0 : i32
      %add3A_132 = arith.addi %add3A_131, %mul3A_130 : i32
      %broadcast_in_dim3A_133 = arith.constant 0.000000e+00 : f32
      %broadcast_in_dim3A_134 = vector.broadcast %broadcast_in_dim3A_133 : f32 to vector<16xf32>
      %mul3A_135 = arith.constant 16 : i32
      %mul3A_136 = arith.muli %add3A_132, %mul3A_135 : i32
      %swap3A_137 = arith.index_cast %mul3A_136 : i32 to index
      %swap3A_138 = tpu.vector_load %arg8[%swap3A_137] {strides = array<i32>} : memref<640xf32, #tpu.memory_space<vmem>>, vector<16xf32>,
      tpu.vector_store %arg8[%swap3A_137], %broadcast_in_dim3A_134 {strides = array<i32>} : memref<640xf32, #tpu.memory_space<vmem>>, vector<16xf32>,
      %scan3A_139 = arith.constant 7 : i32
      %scan3A_140 = arith.addi %scan3A_58, %scan3A_139 : i32
      %mul3A_141 = arith.constant 1 : i32
      %mul3A_142 = arith.muli %scan3A_140, %mul3A_141 : i32
      %add3A_143 = arith.constant 0 : i32
      %add3A_144 = arith.addi %add3A_143, %mul3A_142 : i32
      %broadcast_in_dim3A_145 = arith.constant 0.000000e+00 : f32
      %broadcast_in_dim3A_146 = vector.broadcast %broadcast_in_dim3A_145 : f32 to vector<16xf32>
      %mul3A_147 = arith.constant 16 : i32
      %mul3A_148 = arith.muli %add3A_144, %mul3A_147 : i32
      %swap3A_149 = arith.index_cast %mul3A_148 : i32 to index
      %swap3A_150 = tpu.vector_load %arg8[%swap3A_149] {strides = array<i32>} : memref<640xf32, #tpu.memory_space<vmem>>, vector<16xf32>,
      tpu.vector_store %arg8[%swap3A_149], %broadcast_in_dim3A_146 {strides = array<i32>} : memref<640xf32, #tpu.memory_space<vmem>>, vector<16xf32>,
    }
    %scan3A_15 = arith.constant 40 : i32
    %mul3A_16 = arith.constant 640 : i32
    %mul3A_17 = arith.muli %arg1, %mul3A_16 : i32
    "tpu.region"() ({
      %run_scoped3A = tpu.sem_alloc : memref<!tpu.dma_semaphore, #tpu.memory_space<semaphore_mem>>
      %dma_start3A_58 = tpu.memref_slice %arg9[%mul3A_17] : memref<10240xf32, #tpu.memory_space<vmem_shared>> -> memref<640xf32, #tpu.memory_space<vmem_shared>>
      %dma_start3A_59 = tpu.memref_slice %arg9[%mul3A_17] : memref<10240xf32, #tpu.memory_space<vmem_shared>> -> memref<640xf32, #tpu.memory_space<vmem_shared>>
      tpu.enqueue_dma source(%arg8 : memref<640xf32, #tpu.memory_space<vmem>>) target(%dma_start3A_59 : memref<640xf32, #tpu.memory_space<vmem_shared>>) target_semaphore(%run_scoped3A : memref<!tpu.dma_semaphore, #tpu.memory_space<semaphore_mem>>)
      %dma_wait3A_60 = tpu.memref_slice %arg9[%mul3A_17] : memref<10240xf32, #tpu.memory_space<vmem_shared>> -> memref<640xf32, #tpu.memory_space<vmem_shared>>
      %dma_wait3A_61 = tpu.memref_slice %arg9[%mul3A_17] : memref<10240xf32, #tpu.memory_space<vmem_shared>> -> memref<640xf32, #tpu.memory_space<vmem_shared>>
      tpu.wait_dma2 semaphore(%run_scoped3A : memref<!tpu.dma_semaphore, #tpu.memory_space<semaphore_mem>>) src(%arg8 : memref<640xf32, #tpu.memory_space<vmem>>) dst(%dma_wait3A_61 : memref<640xf32, #tpu.memory_space<vmem_shared>>)
      tpu.yield
    }) : () -> ()
    %scan3A_18 = arith.constant 0 : i32
    %scan3A_19 = arith.constant 1256 : i32
    %scan3A_20 = arith.addi %scan3A_18, %scan3A_19 : i32
    %scan3A_21 = arith.constant 8 : i32
    scf.for %scan3A_58 = %scan3A_18 to %scan3A_20 step %scan3A_21  : i32 {
      %mul3A_59 = arith.constant 1 : i32
      %mul3A_60 = arith.muli %scan3A_58, %mul3A_59 : i32
      %add3A_61 = arith.constant 0 : i32
      %add3A_62 = arith.addi %add3A_61, %mul3A_60 : i32
      %broadcast_in_dim3A = arith.constant 1.000000e+00 : f32
      %broadcast_in_dim3A_63 = vector.broadcast %broadcast_in_dim3A : f32 to vector<16xf32>
      %mul3A_64 = arith.constant 16 : i32
      %mul3A_65 = arith.muli %add3A_62, %mul3A_64 : i32
      %swap3A = arith.index_cast %mul3A_65 : i32 to index
      %swap3A_66 = tpu.vector_load %arg7[%swap3A] {strides = array<i32>} : memref<20096xf32, #tpu.memory_space<vmem>>, vector<16xf32>,
      tpu.vector_store %arg7[%swap3A], %broadcast_in_dim3A_63 {strides = array<i32>} : memref<20096xf32, #tpu.memory_space<vmem>>, vector<16xf32>,
      %scan3A_67 = arith.constant 1 : i32
      %scan3A_68 = arith.addi %scan3A_58, %scan3A_67 : i32
      %mul3A_69 = arith.constant 1 : i32
      %mul3A_70 = arith.muli %scan3A_68, %mul3A_69 : i32
      %add3A_71 = arith.constant 0 : i32
      %add3A_72 = arith.addi %add3A_71, %mul3A_70 : i32
      %broadcast_in_dim3A_73 = arith.constant 1.000000e+00 : f32
      %broadcast_in_dim3A_74 = vector.broadcast %broadcast_in_dim3A_73 : f32 to vector<16xf32>
      %mul3A_75 = arith.constant 16 : i32
      %mul3A_76 = arith.muli %add3A_72, %mul3A_75 : i32
      %swap3A_77 = arith.index_cast %mul3A_76 : i32 to index
      %swap3A_78 = tpu.vector_load %arg7[%swap3A_77] {strides = array<i32>} : memref<20096xf32, #tpu.memory_space<vmem>>, vector<16xf32>,
      tpu.vector_store %arg7[%swap3A_77], %broadcast_in_dim3A_74 {strides = array<i32>} : memref<20096xf32, #tpu.memory_space<vmem>>, vector<16xf32>,
      %scan3A_79 = arith.constant 2 : i32
      %scan3A_80 = arith.addi %scan3A_58, %scan3A_79 : i32
      %mul3A_81 = arith.constant 1 : i32
      %mul3A_82 = arith.muli %scan3A_80, %mul3A_81 : i32
      %add3A_83 = arith.constant 0 : i32
      %add3A_84 = arith.addi %add3A_83, %mul3A_82 : i32
      %broadcast_in_dim3A_85 = arith.constant 1.000000e+00 : f32
      %broadcast_in_dim3A_86 = vector.broadcast %broadcast_in_dim3A_85 : f32 to vector<16xf32>
      %mul3A_87 = arith.constant 16 : i32
      %mul3A_88 = arith.muli %add3A_84, %mul3A_87 : i32
      %swap3A_89 = arith.index_cast %mul3A_88 : i32 to index
      %swap3A_90 = tpu.vector_load %arg7[%swap3A_89] {strides = array<i32>} : memref<20096xf32, #tpu.memory_space<vmem>>, vector<16xf32>,
      tpu.vector_store %arg7[%swap3A_89], %broadcast_in_dim3A_86 {strides = array<i32>} : memref<20096xf32, #tpu.memory_space<vmem>>, vector<16xf32>,
      %scan3A_91 = arith.constant 3 : i32
      %scan3A_92 = arith.addi %scan3A_58, %scan3A_91 : i32
      %mul3A_93 = arith.constant 1 : i32
      %mul3A_94 = arith.muli %scan3A_92, %mul3A_93 : i32
      %add3A_95 = arith.constant 0 : i32
      %add3A_96 = arith.addi %add3A_95, %mul3A_94 : i32
      %broadcast_in_dim3A_97 = arith.constant 1.000000e+00 : f32
      %broadcast_in_dim3A_98 = vector.broadcast %broadcast_in_dim3A_97 : f32 to vector<16xf32>
      %mul3A_99 = arith.constant 16 : i32
      %mul3A_100 = arith.muli %add3A_96, %mul3A_99 : i32
      %swap3A_101 = arith.index_cast %mul3A_100 : i32 to index
      %swap3A_102 = tpu.vector_load %arg7[%swap3A_101] {strides = array<i32>} : memref<20096xf32, #tpu.memory_space<vmem>>, vector<16xf32>,
      tpu.vector_store %arg7[%swap3A_101], %broadcast_in_dim3A_98 {strides = array<i32>} : memref<20096xf32, #tpu.memory_space<vmem>>, vector<16xf32>,
      %scan3A_103 = arith.constant 4 : i32
      %scan3A_104 = arith.addi %scan3A_58, %scan3A_103 : i32
      %mul3A_105 = arith.constant 1 : i32
      %mul3A_106 = arith.muli %scan3A_104, %mul3A_105 : i32
      %add3A_107 = arith.constant 0 : i32
      %add3A_108 = arith.addi %add3A_107, %mul3A_106 : i32
      %broadcast_in_dim3A_109 = arith.constant 1.000000e+00 : f32
      %broadcast_in_dim3A_110 = vector.broadcast %broadcast_in_dim3A_109 : f32 to vector<16xf32>
      %mul3A_111 = arith.constant 16 : i32
      %mul3A_112 = arith.muli %add3A_108, %mul3A_111 : i32
      %swap3A_113 = arith.index_cast %mul3A_112 : i32 to index
      %swap3A_114 = tpu.vector_load %arg7[%swap3A_113] {strides = array<i32>} : memref<20096xf32, #tpu.memory_space<vmem>>, vector<16xf32>,
      tpu.vector_store %arg7[%swap3A_113], %broadcast_in_dim3A_110 {strides = array<i32>} : memref<20096xf32, #tpu.memory_space<vmem>>, vector<16xf32>,
      %scan3A_115 = arith.constant 5 : i32
      %scan3A_116 = arith.addi %scan3A_58, %scan3A_115 : i32
      %mul3A_117 = arith.constant 1 : i32
      %mul3A_118 = arith.muli %scan3A_116, %mul3A_117 : i32
      %add3A_119 = arith.constant 0 : i32
      %add3A_120 = arith.addi %add3A_119, %mul3A_118 : i32
      %broadcast_in_dim3A_121 = arith.constant 1.000000e+00 : f32
      %broadcast_in_dim3A_122 = vector.broadcast %broadcast_in_dim3A_121 : f32 to vector<16xf32>
      %mul3A_123 = arith.constant 16 : i32
      %mul3A_124 = arith.muli %add3A_120, %mul3A_123 : i32
      %swap3A_125 = arith.index_cast %mul3A_124 : i32 to index
      %swap3A_126 = tpu.vector_load %arg7[%swap3A_125] {strides = array<i32>} : memref<20096xf32, #tpu.memory_space<vmem>>, vector<16xf32>,
      tpu.vector_store %arg7[%swap3A_125], %broadcast_in_dim3A_122 {strides = array<i32>} : memref<20096xf32, #tpu.memory_space<vmem>>, vector<16xf32>,
      %scan3A_127 = arith.constant 6 : i32
      %scan3A_128 = arith.addi %scan3A_58, %scan3A_127 : i32
      %mul3A_129 = arith.constant 1 : i32
      %mul3A_130 = arith.muli %scan3A_128, %mul3A_129 : i32
      %add3A_131 = arith.constant 0 : i32
      %add3A_132 = arith.addi %add3A_131, %mul3A_130 : i32
      %broadcast_in_dim3A_133 = arith.constant 1.000000e+00 : f32
      %broadcast_in_dim3A_134 = vector.broadcast %broadcast_in_dim3A_133 : f32 to vector<16xf32>
      %mul3A_135 = arith.constant 16 : i32
      %mul3A_136 = arith.muli %add3A_132, %mul3A_135 : i32
      %swap3A_137 = arith.index_cast %mul3A_136 : i32 to index
      %swap3A_138 = tpu.vector_load %arg7[%swap3A_137] {strides = array<i32>} : memref<20096xf32, #tpu.memory_space<vmem>>, vector<16xf32>,
      tpu.vector_store %arg7[%swap3A_137], %broadcast_in_dim3A_134 {strides = array<i32>} : memref<20096xf32, #tpu.memory_space<vmem>>, vector<16xf32>,
      %scan3A_139 = arith.constant 7 : i32
      %scan3A_140 = arith.addi %scan3A_58, %scan3A_139 : i32
      %mul3A_141 = arith.constant 1 : i32
      %mul3A_142 = arith.muli %scan3A_140, %mul3A_141 : i32
      %add3A_143 = arith.constant 0 : i32
      %add3A_144 = arith.addi %add3A_143, %mul3A_142 : i32
      %broadcast_in_dim3A_145 = arith.constant 1.000000e+00 : f32
      %broadcast_in_dim3A_146 = vector.broadcast %broadcast_in_dim3A_145 : f32 to vector<16xf32>
      %mul3A_147 = arith.constant 16 : i32
      %mul3A_148 = arith.muli %add3A_144, %mul3A_147 : i32
      %swap3A_149 = arith.index_cast %mul3A_148 : i32 to index
      %swap3A_150 = tpu.vector_load %arg7[%swap3A_149] {strides = array<i32>} : memref<20096xf32, #tpu.memory_space<vmem>>, vector<16xf32>,
      tpu.vector_store %arg7[%swap3A_149], %broadcast_in_dim3A_146 {strides = array<i32>} : memref<20096xf32, #tpu.memory_space<vmem>>, vector<16xf32>,
    }
    %scan3A_22 = arith.constant 1256 : i32
    %convert_element_type3A = arith.extui %lt3A_8 : i1 to i32
    %cond3A = arith.constant 0 : i32
    %cond3A_23 = arith.cmpi ne, %convert_element_type3A, %cond3A : i32
    scf.if %cond3A_23 {
      %broadcast_in_dim3A = arith.constant 0.000000e+00 : f32
      %broadcast_in_dim3A_58 = vector.broadcast %broadcast_in_dim3A : f32 to vector<16xf32>
      %swap3A = arith.constant 19968 : index
      %swap3A_59 = tpu.vector_load %arg7[%swap3A] {strides = array<i32>} : memref<20096xf32, #tpu.memory_space<vmem>>, vector<16xf32>,
      tpu.vector_store %arg7[%swap3A], %broadcast_in_dim3A_58 {strides = array<i32>} : memref<20096xf32, #tpu.memory_space<vmem>>, vector<16xf32>,
      %broadcast_in_dim3A_60 = arith.constant 0.000000e+00 : f32
      %broadcast_in_dim3A_61 = vector.broadcast %broadcast_in_dim3A_60 : f32 to vector<16xf32>
      %swap3A_62 = arith.constant 19984 : index
      %swap3A_63 = tpu.vector_load %arg7[%swap3A_62] {strides = array<i32>} : memref<20096xf32, #tpu.memory_space<vmem>>, vector<16xf32>,
      tpu.vector_store %arg7[%swap3A_62], %broadcast_in_dim3A_61 {strides = array<i32>} : memref<20096xf32, #tpu.memory_space<vmem>>, vector<16xf32>,
      %broadcast_in_dim3A_64 = arith.constant 0.000000e+00 : f32
      %broadcast_in_dim3A_65 = vector.broadcast %broadcast_in_dim3A_64 : f32 to vector<16xf32>
      %swap3A_66 = arith.constant 20000 : index
      %swap3A_67 = tpu.vector_load %arg7[%swap3A_66] {strides = array<i32>} : memref<20096xf32, #tpu.memory_space<vmem>>, vector<16xf32>,
      tpu.vector_store %arg7[%swap3A_66], %broadcast_in_dim3A_65 {strides = array<i32>} : memref<20096xf32, #tpu.memory_space<vmem>>, vector<16xf32>,
      %broadcast_in_dim3A_68 = arith.constant 0.000000e+00 : f32
      %broadcast_in_dim3A_69 = vector.broadcast %broadcast_in_dim3A_68 : f32 to vector<16xf32>
      %swap3A_70 = arith.constant 20016 : index
      %swap3A_71 = tpu.vector_load %arg7[%swap3A_70] {strides = array<i32>} : memref<20096xf32, #tpu.memory_space<vmem>>, vector<16xf32>,
      tpu.vector_store %arg7[%swap3A_70], %broadcast_in_dim3A_69 {strides = array<i32>} : memref<20096xf32, #tpu.memory_space<vmem>>, vector<16xf32>,
      %broadcast_in_dim3A_72 = arith.constant 0.000000e+00 : f32
      %broadcast_in_dim3A_73 = vector.broadcast %broadcast_in_dim3A_72 : f32 to vector<16xf32>
      %swap3A_74 = arith.constant 20032 : index
      %swap3A_75 = tpu.vector_load %arg7[%swap3A_74] {strides = array<i32>} : memref<20096xf32, #tpu.memory_space<vmem>>, vector<16xf32>,
      tpu.vector_store %arg7[%swap3A_74], %broadcast_in_dim3A_73 {strides = array<i32>} : memref<20096xf32, #tpu.memory_space<vmem>>, vector<16xf32>,
      %broadcast_in_dim3A_76 = arith.constant 0.000000e+00 : f32
      %broadcast_in_dim3A_77 = vector.broadcast %broadcast_in_dim3A_76 : f32 to vector<16xf32>
      %swap3A_78 = arith.constant 20048 : index
      %swap3A_79 = tpu.vector_load %arg7[%swap3A_78] {strides = array<i32>} : memref<20096xf32, #tpu.memory_space<vmem>>, vector<16xf32>,
      tpu.vector_store %arg7[%swap3A_78], %broadcast_in_dim3A_77 {strides = array<i32>} : memref<20096xf32, #tpu.memory_space<vmem>>, vector<16xf32>,
      %broadcast_in_dim3A_80 = arith.constant 0.000000e+00 : f32
      %broadcast_in_dim3A_81 = vector.broadcast %broadcast_in_dim3A_80 : f32 to vector<16xf32>
      %swap3A_82 = arith.constant 20064 : index
      %swap3A_83 = tpu.vector_load %arg7[%swap3A_82] {strides = array<i32>} : memref<20096xf32, #tpu.memory_space<vmem>>, vector<16xf32>,
      tpu.vector_store %arg7[%swap3A_82], %broadcast_in_dim3A_81 {strides = array<i32>} : memref<20096xf32, #tpu.memory_space<vmem>>, vector<16xf32>,
      %broadcast_in_dim3A_84 = arith.constant 0.000000e+00 : f32
      %broadcast_in_dim3A_85 = vector.broadcast %broadcast_in_dim3A_84 : f32 to vector<16xf32>
      %swap3A_86 = arith.constant 20080 : index
      %swap3A_87 = tpu.vector_load %arg7[%swap3A_86] {strides = array<i32>} : memref<20096xf32, #tpu.memory_space<vmem>>, vector<16xf32>,
      tpu.vector_store %arg7[%swap3A_86], %broadcast_in_dim3A_85 {strides = array<i32>} : memref<20096xf32, #tpu.memory_space<vmem>>, vector<16xf32>,
    } else {
    }
    %dma_wait3A = arith.constant 0 : i32
    %dma_wait3A_24 = tpu.memref_slice %arg2[%dma_wait3A, %mul3A_7] : memref<2x640000xi32, #tpu.memory_space<hbm>> -> memref<2x20096xi32, #tpu.memory_space<hbm>>
    %dma_wait3A_25 = arith.constant 0 : i32
    %dma_wait3A_26 = tpu.memref_slice %arg2[%dma_wait3A_25, %mul3A_7] : memref<2x640000xi32, #tpu.memory_space<hbm>> -> memref<2x20096xi32, #tpu.memory_space<hbm>>
    tpu.wait_dma2 semaphore(%arg10 : memref<!tpu.dma_semaphore, #tpu.memory_space<semaphore_mem>>) src(%dma_wait3A_26 : memref<2x20096xi32, #tpu.memory_space<hbm>>) dst(%arg4 : memref<2x20096xi32, #tpu.memory_space<vmem>>)
    %barrier3A = arith.constant 0 : index
    tpu.barrier barrier_id(%barrier3A)
    %scan3A_27 = arith.constant 0 : i32
    %scan3A_28 = arith.constant 632 : i32
    %scan3A_29 = arith.addi %scan3A_27, %scan3A_28 : i32
    %scan3A_30 = arith.constant 8 : i32
    scf.for %scan3A_58 = %scan3A_27 to %scan3A_29 step %scan3A_30  : i32 {
      %mul3A_59 = arith.constant 1 : i32
      %mul3A_60 = arith.muli %scan3A_58, %mul3A_59 : i32
      %add3A_61 = arith.constant 0 : i32
      %add3A_62 = arith.addi %add3A_61, %mul3A_60 : i32
      %mul3A_63 = arith.constant 16 : i32
      %mul3A_64 = arith.muli %add3A_62, %mul3A_63 : i32
      %get3A = arith.constant 1 : i32
      %get3A_65 = arith.index_cast %get3A : i32 to index
      %get3A_66 = arith.index_cast %mul3A_64 : i32 to index
      %get3A_67 = tpu.vector_load %arg4[%get3A_65, %get3A_66] {strides = array<i32>} : memref<2x20096xi32, #tpu.memory_space<vmem>>, vector<16xi32>,
      %swap3A = arith.index_cast %mul3A_64 : i32 to index
      %swap3A_68 = tpu.vector_load %arg5[%swap3A] {strides = array<i32>} : memref<10112xi32, #tpu.memory_space<vmem>>, vector<16xi32>,
      tpu.vector_store %arg5[%swap3A], %get3A_67 {strides = array<i32>} : memref<10112xi32, #tpu.memory_space<vmem>>, vector<16xi32>,
      %scan3A_69 = arith.constant 1 : i32
      %scan3A_70 = arith.addi %scan3A_58, %scan3A_69 : i32
      %mul3A_71 = arith.constant 1 : i32
      %mul3A_72 = arith.muli %scan3A_70, %mul3A_71 : i32
      %add3A_73 = arith.constant 0 : i32
      %add3A_74 = arith.addi %add3A_73, %mul3A_72 : i32
      %mul3A_75 = arith.constant 16 : i32
      %mul3A_76 = arith.muli %add3A_74, %mul3A_75 : i32
      %get3A_77 = arith.constant 1 : i32
      %get3A_78 = arith.index_cast %get3A_77 : i32 to index
      %get3A_79 = arith.index_cast %mul3A_76 : i32 to index
      %get3A_80 = tpu.vector_load %arg4[%get3A_78, %get3A_79] {strides = array<i32>} : memref<2x20096xi32, #tpu.memory_space<vmem>>, vector<16xi32>,
      %swap3A_81 = arith.index_cast %mul3A_76 : i32 to index
      %swap3A_82 = tpu.vector_load %arg5[%swap3A_81] {strides = array<i32>} : memref<10112xi32, #tpu.memory_space<vmem>>, vector<16xi32>,
      tpu.vector_store %arg5[%swap3A_81], %get3A_80 {strides = array<i32>} : memref<10112xi32, #tpu.memory_space<vmem>>, vector<16xi32>,
      %scan3A_83 = arith.constant 2 : i32
      %scan3A_84 = arith.addi %scan3A_58, %scan3A_83 : i32
      %mul3A_85 = arith.constant 1 : i32
      %mul3A_86 = arith.muli %scan3A_84, %mul3A_85 : i32
      %add3A_87 = arith.constant 0 : i32
      %add3A_88 = arith.addi %add3A_87, %mul3A_86 : i32
      %mul3A_89 = arith.constant 16 : i32
      %mul3A_90 = arith.muli %add3A_88, %mul3A_89 : i32
      %get3A_91 = arith.constant 1 : i32
      %get3A_92 = arith.index_cast %get3A_91 : i32 to index
      %get3A_93 = arith.index_cast %mul3A_90 : i32 to index
      %get3A_94 = tpu.vector_load %arg4[%get3A_92, %get3A_93] {strides = array<i32>} : memref<2x20096xi32, #tpu.memory_space<vmem>>, vector<16xi32>,
      %swap3A_95 = arith.index_cast %mul3A_90 : i32 to index
      %swap3A_96 = tpu.vector_load %arg5[%swap3A_95] {strides = array<i32>} : memref<10112xi32, #tpu.memory_space<vmem>>, vector<16xi32>,
      tpu.vector_store %arg5[%swap3A_95], %get3A_94 {strides = array<i32>} : memref<10112xi32, #tpu.memory_space<vmem>>, vector<16xi32>,
      %scan3A_97 = arith.constant 3 : i32
      %scan3A_98 = arith.addi %scan3A_58, %scan3A_97 : i32
      %mul3A_99 = arith.constant 1 : i32
      %mul3A_100 = arith.muli %scan3A_98, %mul3A_99 : i32
      %add3A_101 = arith.constant 0 : i32
      %add3A_102 = arith.addi %add3A_101, %mul3A_100 : i32
      %mul3A_103 = arith.constant 16 : i32
      %mul3A_104 = arith.muli %add3A_102, %mul3A_103 : i32
      %get3A_105 = arith.constant 1 : i32
      %get3A_106 = arith.index_cast %get3A_105 : i32 to index
      %get3A_107 = arith.index_cast %mul3A_104 : i32 to index
      %get3A_108 = tpu.vector_load %arg4[%get3A_106, %get3A_107] {strides = array<i32>} : memref<2x20096xi32, #tpu.memory_space<vmem>>, vector<16xi32>,
      %swap3A_109 = arith.index_cast %mul3A_104 : i32 to index
      %swap3A_110 = tpu.vector_load %arg5[%swap3A_109] {strides = array<i32>} : memref<10112xi32, #tpu.memory_space<vmem>>, vector<16xi32>,
      tpu.vector_store %arg5[%swap3A_109], %get3A_108 {strides = array<i32>} : memref<10112xi32, #tpu.memory_space<vmem>>, vector<16xi32>,
      %scan3A_111 = arith.constant 4 : i32
      %scan3A_112 = arith.addi %scan3A_58, %scan3A_111 : i32
      %mul3A_113 = arith.constant 1 : i32
      %mul3A_114 = arith.muli %scan3A_112, %mul3A_113 : i32
      %add3A_115 = arith.constant 0 : i32
      %add3A_116 = arith.addi %add3A_115, %mul3A_114 : i32
      %mul3A_117 = arith.constant 16 : i32
      %mul3A_118 = arith.muli %add3A_116, %mul3A_117 : i32
      %get3A_119 = arith.constant 1 : i32
      %get3A_120 = arith.index_cast %get3A_119 : i32 to index
      %get3A_121 = arith.index_cast %mul3A_118 : i32 to index
      %get3A_122 = tpu.vector_load %arg4[%get3A_120, %get3A_121] {strides = array<i32>} : memref<2x20096xi32, #tpu.memory_space<vmem>>, vector<16xi32>,
      %swap3A_123 = arith.index_cast %mul3A_118 : i32 to index
      %swap3A_124 = tpu.vector_load %arg5[%swap3A_123] {strides = array<i32>} : memref<10112xi32, #tpu.memory_space<vmem>>, vector<16xi32>,
      tpu.vector_store %arg5[%swap3A_123], %get3A_122 {strides = array<i32>} : memref<10112xi32, #tpu.memory_space<vmem>>, vector<16xi32>,
      %scan3A_125 = arith.constant 5 : i32
      %scan3A_126 = arith.addi %scan3A_58, %scan3A_125 : i32
      %mul3A_127 = arith.constant 1 : i32
      %mul3A_128 = arith.muli %scan3A_126, %mul3A_127 : i32
      %add3A_129 = arith.constant 0 : i32
      %add3A_130 = arith.addi %add3A_129, %mul3A_128 : i32
      %mul3A_131 = arith.constant 16 : i32
      %mul3A_132 = arith.muli %add3A_130, %mul3A_131 : i32
      %get3A_133 = arith.constant 1 : i32
      %get3A_134 = arith.index_cast %get3A_133 : i32 to index
      %get3A_135 = arith.index_cast %mul3A_132 : i32 to index
      %get3A_136 = tpu.vector_load %arg4[%get3A_134, %get3A_135] {strides = array<i32>} : memref<2x20096xi32, #tpu.memory_space<vmem>>, vector<16xi32>,
      %swap3A_137 = arith.index_cast %mul3A_132 : i32 to index
      %swap3A_138 = tpu.vector_load %arg5[%swap3A_137] {strides = array<i32>} : memref<10112xi32, #tpu.memory_space<vmem>>, vector<16xi32>,
      tpu.vector_store %arg5[%swap3A_137], %get3A_136 {strides = array<i32>} : memref<10112xi32, #tpu.memory_space<vmem>>, vector<16xi32>,
      %scan3A_139 = arith.constant 6 : i32
      %scan3A_140 = arith.addi %scan3A_58, %scan3A_139 : i32
      %mul3A_141 = arith.constant 1 : i32
      %mul3A_142 = arith.muli %scan3A_140, %mul3A_141 : i32
      %add3A_143 = arith.constant 0 : i32
      %add3A_144 = arith.addi %add3A_143, %mul3A_142 : i32
      %mul3A_145 = arith.constant 16 : i32
      %mul3A_146 = arith.muli %add3A_144, %mul3A_145 : i32
      %get3A_147 = arith.constant 1 : i32
      %get3A_148 = arith.index_cast %get3A_147 : i32 to index
      %get3A_149 = arith.index_cast %mul3A_146 : i32 to index
      %get3A_150 = tpu.vector_load %arg4[%get3A_148, %get3A_149] {strides = array<i32>} : memref<2x20096xi32, #tpu.memory_space<vmem>>, vector<16xi32>,
      %swap3A_151 = arith.index_cast %mul3A_146 : i32 to index
      %swap3A_152 = tpu.vector_load %arg5[%swap3A_151] {strides = array<i32>} : memref<10112xi32, #tpu.memory_space<vmem>>, vector<16xi32>,
      tpu.vector_store %arg5[%swap3A_151], %get3A_150 {strides = array<i32>} : memref<10112xi32, #tpu.memory_space<vmem>>, vector<16xi32>,
      %scan3A_153 = arith.constant 7 : i32
      %scan3A_154 = arith.addi %scan3A_58, %scan3A_153 : i32
      %mul3A_155 = arith.constant 1 : i32
      %mul3A_156 = arith.muli %scan3A_154, %mul3A_155 : i32
      %add3A_157 = arith.constant 0 : i32
      %add3A_158 = arith.addi %add3A_157, %mul3A_156 : i32
      %mul3A_159 = arith.constant 16 : i32
      %mul3A_160 = arith.muli %add3A_158, %mul3A_159 : i32
      %get3A_161 = arith.constant 1 : i32
      %get3A_162 = arith.index_cast %get3A_161 : i32 to index
      %get3A_163 = arith.index_cast %mul3A_160 : i32 to index
      %get3A_164 = tpu.vector_load %arg4[%get3A_162, %get3A_163] {strides = array<i32>} : memref<2x20096xi32, #tpu.memory_space<vmem>>, vector<16xi32>,
      %swap3A_165 = arith.index_cast %mul3A_160 : i32 to index
      %swap3A_166 = tpu.vector_load %arg5[%swap3A_165] {strides = array<i32>} : memref<10112xi32, #tpu.memory_space<vmem>>, vector<16xi32>,
      tpu.vector_store %arg5[%swap3A_165], %get3A_164 {strides = array<i32>} : memref<10112xi32, #tpu.memory_space<vmem>>, vector<16xi32>,
    }
    %scan3A_31 = arith.constant 632 : i32
    %dma_start3A_32 = arith.constant 0 : i32
    %dma_start3A_33 = tpu.memref_slice %arg7[%dma_start3A_32] : memref<20096xf32, #tpu.memory_space<vmem>> -> memref<10112xf32, #tpu.memory_space<vmem>>
    %dma_start3A_34 = arith.constant 0 : i32
    %dma_start3A_35 = tpu.memref_slice %arg9[%dma_start3A_34] : memref<10240xf32, #tpu.memory_space<vmem_shared>> -> memref<10240xf32, #tpu.memory_space<vmem_shared>>
    tpu.enqueue_indirect_dma source(%dma_start3A_33 : memref<10112xf32, #tpu.memory_space<vmem>>) target(%dma_start3A_35 : memref<10240xf32, #tpu.memory_space<vmem_shared>>) offsets(%arg5 : memref<10112xi32, #tpu.memory_space<vmem>>) semaphore(%arg10 : memref<!tpu.dma_semaphore, #tpu.memory_space<semaphore_mem>>) {add = true}
    %scan3A_36 = arith.constant 0 : i32
    %scan3A_37 = arith.constant 624 : i32
    %scan3A_38 = arith.addi %scan3A_36, %scan3A_37 : i32
    %scan3A_39 = arith.constant 8 : i32
    scf.for %scan3A_58 = %scan3A_36 to %scan3A_38 step %scan3A_39  : i32 {
      %mul3A_59 = arith.constant 1 : i32
      %mul3A_60 = arith.muli %scan3A_58, %mul3A_59 : i32
      %add3A_61 = arith.constant 0 : i32
      %add3A_62 = arith.addi %add3A_61, %mul3A_60 : i32
      %mul3A_63 = arith.constant 16 : i32
      %mul3A_64 = arith.muli %add3A_62, %mul3A_63 : i32
      %mul3A_65 = arith.constant 16 : i32
      %mul3A_66 = arith.muli %add3A_62, %mul3A_65 : i32
      %add3A_67 = arith.constant 10112 : i32
      %add3A_68 = arith.addi %add3A_67, %mul3A_66 : i32
      %get3A = arith.constant 1 : i32
      %get3A_69 = arith.index_cast %get3A : i32 to index
      %get3A_70 = arith.index_cast %add3A_68 : i32 to index
      %get3A_71 = tpu.vector_load %arg4[%get3A_69, %get3A_70] {strides = array<i32>} : memref<2x20096xi32, #tpu.memory_space<vmem>>, vector<16xi32>,
      %swap3A = arith.index_cast %mul3A_64 : i32 to index
      %swap3A_72 = tpu.vector_load %arg6[%swap3A] {strides = array<i32>} : memref<9984xi32, #tpu.memory_space<vmem>>, vector<16xi32>,
      tpu.vector_store %arg6[%swap3A], %get3A_71 {strides = array<i32>} : memref<9984xi32, #tpu.memory_space<vmem>>, vector<16xi32>,
      %scan3A_73 = arith.constant 1 : i32
      %scan3A_74 = arith.addi %scan3A_58, %scan3A_73 : i32
      %mul3A_75 = arith.constant 1 : i32
      %mul3A_76 = arith.muli %scan3A_74, %mul3A_75 : i32
      %add3A_77 = arith.constant 0 : i32
      %add3A_78 = arith.addi %add3A_77, %mul3A_76 : i32
      %mul3A_79 = arith.constant 16 : i32
      %mul3A_80 = arith.muli %add3A_78, %mul3A_79 : i32
      %mul3A_81 = arith.constant 16 : i32
      %mul3A_82 = arith.muli %add3A_78, %mul3A_81 : i32
      %add3A_83 = arith.constant 10112 : i32
      %add3A_84 = arith.addi %add3A_83, %mul3A_82 : i32
      %get3A_85 = arith.constant 1 : i32
      %get3A_86 = arith.index_cast %get3A_85 : i32 to index
      %get3A_87 = arith.index_cast %add3A_84 : i32 to index
      %get3A_88 = tpu.vector_load %arg4[%get3A_86, %get3A_87] {strides = array<i32>} : memref<2x20096xi32, #tpu.memory_space<vmem>>, vector<16xi32>,
      %swap3A_89 = arith.index_cast %mul3A_80 : i32 to index
      %swap3A_90 = tpu.vector_load %arg6[%swap3A_89] {strides = array<i32>} : memref<9984xi32, #tpu.memory_space<vmem>>, vector<16xi32>,
      tpu.vector_store %arg6[%swap3A_89], %get3A_88 {strides = array<i32>} : memref<9984xi32, #tpu.memory_space<vmem>>, vector<16xi32>,
      %scan3A_91 = arith.constant 2 : i32
      %scan3A_92 = arith.addi %scan3A_58, %scan3A_91 : i32
      %mul3A_93 = arith.constant 1 : i32
      %mul3A_94 = arith.muli %scan3A_92, %mul3A_93 : i32
      %add3A_95 = arith.constant 0 : i32
      %add3A_96 = arith.addi %add3A_95, %mul3A_94 : i32
      %mul3A_97 = arith.constant 16 : i32
      %mul3A_98 = arith.muli %add3A_96, %mul3A_97 : i32
      %mul3A_99 = arith.constant 16 : i32
      %mul3A_100 = arith.muli %add3A_96, %mul3A_99 : i32
      %add3A_101 = arith.constant 10112 : i32
      %add3A_102 = arith.addi %add3A_101, %mul3A_100 : i32
      %get3A_103 = arith.constant 1 : i32
      %get3A_104 = arith.index_cast %get3A_103 : i32 to index
      %get3A_105 = arith.index_cast %add3A_102 : i32 to index
      %get3A_106 = tpu.vector_load %arg4[%get3A_104, %get3A_105] {strides = array<i32>} : memref<2x20096xi32, #tpu.memory_space<vmem>>, vector<16xi32>,
      %swap3A_107 = arith.index_cast %mul3A_98 : i32 to index
      %swap3A_108 = tpu.vector_load %arg6[%swap3A_107] {strides = array<i32>} : memref<9984xi32, #tpu.memory_space<vmem>>, vector<16xi32>,
      tpu.vector_store %arg6[%swap3A_107], %get3A_106 {strides = array<i32>} : memref<9984xi32, #tpu.memory_space<vmem>>, vector<16xi32>,
      %scan3A_109 = arith.constant 3 : i32
      %scan3A_110 = arith.addi %scan3A_58, %scan3A_109 : i32
      %mul3A_111 = arith.constant 1 : i32
      %mul3A_112 = arith.muli %scan3A_110, %mul3A_111 : i32
      %add3A_113 = arith.constant 0 : i32
      %add3A_114 = arith.addi %add3A_113, %mul3A_112 : i32
      %mul3A_115 = arith.constant 16 : i32
      %mul3A_116 = arith.muli %add3A_114, %mul3A_115 : i32
      %mul3A_117 = arith.constant 16 : i32
      %mul3A_118 = arith.muli %add3A_114, %mul3A_117 : i32
      %add3A_119 = arith.constant 10112 : i32
      %add3A_120 = arith.addi %add3A_119, %mul3A_118 : i32
      %get3A_121 = arith.constant 1 : i32
      %get3A_122 = arith.index_cast %get3A_121 : i32 to index
      %get3A_123 = arith.index_cast %add3A_120 : i32 to index
      %get3A_124 = tpu.vector_load %arg4[%get3A_122, %get3A_123] {strides = array<i32>} : memref<2x20096xi32, #tpu.memory_space<vmem>>, vector<16xi32>,
      %swap3A_125 = arith.index_cast %mul3A_116 : i32 to index
      %swap3A_126 = tpu.vector_load %arg6[%swap3A_125] {strides = array<i32>} : memref<9984xi32, #tpu.memory_space<vmem>>, vector<16xi32>,
      tpu.vector_store %arg6[%swap3A_125], %get3A_124 {strides = array<i32>} : memref<9984xi32, #tpu.memory_space<vmem>>, vector<16xi32>,
      %scan3A_127 = arith.constant 4 : i32
      %scan3A_128 = arith.addi %scan3A_58, %scan3A_127 : i32
      %mul3A_129 = arith.constant 1 : i32
      %mul3A_130 = arith.muli %scan3A_128, %mul3A_129 : i32
      %add3A_131 = arith.constant 0 : i32
      %add3A_132 = arith.addi %add3A_131, %mul3A_130 : i32
      %mul3A_133 = arith.constant 16 : i32
      %mul3A_134 = arith.muli %add3A_132, %mul3A_133 : i32
      %mul3A_135 = arith.constant 16 : i32
      %mul3A_136 = arith.muli %add3A_132, %mul3A_135 : i32
      %add3A_137 = arith.constant 10112 : i32
      %add3A_138 = arith.addi %add3A_137, %mul3A_136 : i32
      %get3A_139 = arith.constant 1 : i32
      %get3A_140 = arith.index_cast %get3A_139 : i32 to index
      %get3A_141 = arith.index_cast %add3A_138 : i32 to index
      %get3A_142 = tpu.vector_load %arg4[%get3A_140, %get3A_141] {strides = array<i32>} : memref<2x20096xi32, #tpu.memory_space<vmem>>, vector<16xi32>,
      %swap3A_143 = arith.index_cast %mul3A_134 : i32 to index
      %swap3A_144 = tpu.vector_load %arg6[%swap3A_143] {strides = array<i32>} : memref<9984xi32, #tpu.memory_space<vmem>>, vector<16xi32>,
      tpu.vector_store %arg6[%swap3A_143], %get3A_142 {strides = array<i32>} : memref<9984xi32, #tpu.memory_space<vmem>>, vector<16xi32>,
      %scan3A_145 = arith.constant 5 : i32
      %scan3A_146 = arith.addi %scan3A_58, %scan3A_145 : i32
      %mul3A_147 = arith.constant 1 : i32
      %mul3A_148 = arith.muli %scan3A_146, %mul3A_147 : i32
      %add3A_149 = arith.constant 0 : i32
      %add3A_150 = arith.addi %add3A_149, %mul3A_148 : i32
      %mul3A_151 = arith.constant 16 : i32
      %mul3A_152 = arith.muli %add3A_150, %mul3A_151 : i32
      %mul3A_153 = arith.constant 16 : i32
      %mul3A_154 = arith.muli %add3A_150, %mul3A_153 : i32
      %add3A_155 = arith.constant 10112 : i32
      %add3A_156 = arith.addi %add3A_155, %mul3A_154 : i32
      %get3A_157 = arith.constant 1 : i32
      %get3A_158 = arith.index_cast %get3A_157 : i32 to index
      %get3A_159 = arith.index_cast %add3A_156 : i32 to index
      %get3A_160 = tpu.vector_load %arg4[%get3A_158, %get3A_159] {strides = array<i32>} : memref<2x20096xi32, #tpu.memory_space<vmem>>, vector<16xi32>,
      %swap3A_161 = arith.index_cast %mul3A_152 : i32 to index
      %swap3A_162 = tpu.vector_load %arg6[%swap3A_161] {strides = array<i32>} : memref<9984xi32, #tpu.memory_space<vmem>>, vector<16xi32>,
      tpu.vector_store %arg6[%swap3A_161], %get3A_160 {strides = array<i32>} : memref<9984xi32, #tpu.memory_space<vmem>>, vector<16xi32>,
      %scan3A_163 = arith.constant 6 : i32
      %scan3A_164 = arith.addi %scan3A_58, %scan3A_163 : i32
      %mul3A_165 = arith.constant 1 : i32
      %mul3A_166 = arith.muli %scan3A_164, %mul3A_165 : i32
      %add3A_167 = arith.constant 0 : i32
      %add3A_168 = arith.addi %add3A_167, %mul3A_166 : i32
      %mul3A_169 = arith.constant 16 : i32
      %mul3A_170 = arith.muli %add3A_168, %mul3A_169 : i32
      %mul3A_171 = arith.constant 16 : i32
      %mul3A_172 = arith.muli %add3A_168, %mul3A_171 : i32
      %add3A_173 = arith.constant 10112 : i32
      %add3A_174 = arith.addi %add3A_173, %mul3A_172 : i32
      %get3A_175 = arith.constant 1 : i32
      %get3A_176 = arith.index_cast %get3A_175 : i32 to index
      %get3A_177 = arith.index_cast %add3A_174 : i32 to index
      %get3A_178 = tpu.vector_load %arg4[%get3A_176, %get3A_177] {strides = array<i32>} : memref<2x20096xi32, #tpu.memory_space<vmem>>, vector<16xi32>,
      %swap3A_179 = arith.index_cast %mul3A_170 : i32 to index
      %swap3A_180 = tpu.vector_load %arg6[%swap3A_179] {strides = array<i32>} : memref<9984xi32, #tpu.memory_space<vmem>>, vector<16xi32>,
      tpu.vector_store %arg6[%swap3A_179], %get3A_178 {strides = array<i32>} : memref<9984xi32, #tpu.memory_space<vmem>>, vector<16xi32>,
      %scan3A_181 = arith.constant 7 : i32
      %scan3A_182 = arith.addi %scan3A_58, %scan3A_181 : i32
      %mul3A_183 = arith.constant 1 : i32
      %mul3A_184 = arith.muli %scan3A_182, %mul3A_183 : i32
      %add3A_185 = arith.constant 0 : i32
      %add3A_186 = arith.addi %add3A_185, %mul3A_184 : i32
      %mul3A_187 = arith.constant 16 : i32
      %mul3A_188 = arith.muli %add3A_186, %mul3A_187 : i32
      %mul3A_189 = arith.constant 16 : i32
      %mul3A_190 = arith.muli %add3A_186, %mul3A_189 : i32
      %add3A_191 = arith.constant 10112 : i32
      %add3A_192 = arith.addi %add3A_191, %mul3A_190 : i32
      %get3A_193 = arith.constant 1 : i32
      %get3A_194 = arith.index_cast %get3A_193 : i32 to index
      %get3A_195 = arith.index_cast %add3A_192 : i32 to index
      %get3A_196 = tpu.vector_load %arg4[%get3A_194, %get3A_195] {strides = array<i32>} : memref<2x20096xi32, #tpu.memory_space<vmem>>, vector<16xi32>,
      %swap3A_197 = arith.index_cast %mul3A_188 : i32 to index
      %swap3A_198 = tpu.vector_load %arg6[%swap3A_197] {strides = array<i32>} : memref<9984xi32, #tpu.memory_space<vmem>>, vector<16xi32>,
      tpu.vector_store %arg6[%swap3A_197], %get3A_196 {strides = array<i32>} : memref<9984xi32, #tpu.memory_space<vmem>>, vector<16xi32>,
    }
    %scan3A_40 = arith.constant 624 : i32
    %dma_start3A_41 = arith.constant 10112 : i32
    %dma_start3A_42 = tpu.memref_slice %arg7[%dma_start3A_41] : memref<20096xf32, #tpu.memory_space<vmem>> -> memref<9984xf32, #tpu.memory_space<vmem>>
    %dma_start3A_43 = arith.constant 0 : i32
    %dma_start3A_44 = tpu.memref_slice %arg9[%dma_start3A_43] : memref<10240xf32, #tpu.memory_space<vmem_shared>> -> memref<10240xf32, #tpu.memory_space<vmem_shared>>
    tpu.enqueue_indirect_dma source(%dma_start3A_42 : memref<9984xf32, #tpu.memory_space<vmem>>) target(%dma_start3A_44 : memref<10240xf32, #tpu.memory_space<vmem_shared>>) offsets(%arg6 : memref<9984xi32, #tpu.memory_space<vmem>>) semaphore(%arg11 : memref<!tpu.dma_semaphore, #tpu.memory_space<semaphore_mem>>) {add = true}
    %dma_wait3A_45 = arith.constant 0 : i32
    %dma_wait3A_46 = tpu.memref_slice %arg7[%dma_wait3A_45] : memref<20096xf32, #tpu.memory_space<vmem>> -> memref<10112xf32, #tpu.memory_space<vmem>>
    %dma_wait3A_47 = arith.constant 0 : i32
    %dma_wait3A_48 = tpu.memref_slice %arg9[%dma_wait3A_47] : memref<10240xf32, #tpu.memory_space<vmem_shared>> -> memref<10240xf32, #tpu.memory_space<vmem_shared>>
    tpu.wait_indirect_dma semaphore(%arg10 : memref<!tpu.dma_semaphore, #tpu.memory_space<semaphore_mem>>) src(%dma_wait3A_46 : memref<10112xf32, #tpu.memory_space<vmem>>) dst(%dma_wait3A_48 : memref<10240xf32, #tpu.memory_space<vmem_shared>>)
    %dma_wait3A_49 = arith.constant 10112 : i32
    %dma_wait3A_50 = tpu.memref_slice %arg7[%dma_wait3A_49] : memref<20096xf32, #tpu.memory_space<vmem>> -> memref<9984xf32, #tpu.memory_space<vmem>>
    %dma_wait3A_51 = arith.constant 0 : i32
    %dma_wait3A_52 = tpu.memref_slice %arg9[%dma_wait3A_51] : memref<10240xf32, #tpu.memory_space<vmem_shared>> -> memref<10240xf32, #tpu.memory_space<vmem_shared>>
    tpu.wait_indirect_dma semaphore(%arg11 : memref<!tpu.dma_semaphore, #tpu.memory_space<semaphore_mem>>) src(%dma_wait3A_50 : memref<9984xf32, #tpu.memory_space<vmem>>) dst(%dma_wait3A_52 : memref<10240xf32, #tpu.memory_space<vmem_shared>>)
    %barrier3A_53 = arith.constant 0 : index
    tpu.barrier barrier_id(%barrier3A_53)
    %mul3A_54 = arith.constant 640 : i32
    %mul3A_55 = arith.muli %arg1, %mul3A_54 : i32
    %mul3A_56 = arith.constant 640 : i32
    %mul3A_57 = arith.muli %arg1, %mul3A_56 : i32
    "tpu.region"() ({
      %run_scoped3A = tpu.sem_alloc : memref<!tpu.dma_semaphore, #tpu.memory_space<semaphore_mem>>
      %dma_start3A_58 = tpu.memref_slice %arg3[%arg0, %mul3A_57] : memref<2x10240xf32, #tpu.memory_space<hbm>> -> memref<1x640xf32, #tpu.memory_space<hbm>>
      %dma_start3A_59 = tpu.memref_squeeze %dma_start3A_58 : memref<1x640xf32, #tpu.memory_space<hbm>> -> memref<640xf32, #tpu.memory_space<hbm>>
      %dma_start3A_60 = tpu.memref_slice %arg9[%mul3A_55] : memref<10240xf32, #tpu.memory_space<vmem_shared>> -> memref<640xf32, #tpu.memory_space<vmem_shared>>
      tpu.enqueue_dma source(%dma_start3A_60 : memref<640xf32, #tpu.memory_space<vmem_shared>>) target(%dma_start3A_59 : memref<640xf32, #tpu.memory_space<hbm>>) target_semaphore(%run_scoped3A : memref<!tpu.dma_semaphore, #tpu.memory_space<semaphore_mem>>)
      %dma_wait3A_61 = tpu.memref_slice %arg3[%arg0, %mul3A_57] : memref<2x10240xf32, #tpu.memory_space<hbm>> -> memref<1x640xf32, #tpu.memory_space<hbm>>
      %dma_wait3A_62 = tpu.memref_squeeze %dma_wait3A_61 : memref<1x640xf32, #tpu.memory_space<hbm>> -> memref<640xf32, #tpu.memory_space<hbm>>
      %dma_wait3A_63 = tpu.memref_slice %arg9[%mul3A_55] : memref<10240xf32, #tpu.memory_space<vmem_shared>> -> memref<640xf32, #tpu.memory_space<vmem_shared>>
      tpu.wait_dma2 semaphore(%run_scoped3A : memref<!tpu.dma_semaphore, #tpu.memory_space<semaphore_mem>>) src(%dma_wait3A_63 : memref<640xf32, #tpu.memory_space<vmem_shared>>) dst(%dma_wait3A_62 : memref<640xf32, #tpu.memory_space<hbm>>)
      tpu.yield
    }) : () -> ()
    return
  }
}

#map = affine_map<(d0, d1) -> (0, 0)>
#map1 = affine_map<(d0, d1) -> (0)>
module attributes {stable_mosaic.version = 14 : i64} {
  func.func @_agg_body(%arg0: i32, %arg1: i32, %arg2: memref<2x640000xi32, #tpu.memory_space<hbm>>, %arg3: memref<10240xf32, #tpu.memory_space<hbm>>, %arg4: memref<2x10240xf32, #tpu.memory_space<hbm>>, %arg5: memref<2x10240xf32, #tpu.memory_space<hbm>>, %arg6: memref<2x10240xf32, #tpu.memory_space<hbm>>, %arg7: memref<2x10112xi32, #tpu.memory_space<vmem>>, %arg8: memref<2x9984xi32, #tpu.memory_space<vmem>>, %arg9: memref<10112xi32, #tpu.memory_space<vmem>>, %arg10: memref<9984xi32, #tpu.memory_space<vmem>>, %arg11: memref<10112xf32, #tpu.memory_space<vmem>>, %arg12: memref<9984xf32, #tpu.memory_space<vmem>>, %arg13: memref<10240xf32, #tpu.memory_space<vmem>>, %arg14: memref<640xf32, #tpu.memory_space<vmem>>, %arg15: memref<640xf32, #tpu.memory_space<vmem>>, %arg16: memref<640xf32, #tpu.memory_space<vmem>>, %arg17: memref<640xf32, #tpu.memory_space<vmem>>, %arg18: memref<640xf32, #tpu.memory_space<vmem>>, %arg19: memref<10240xf32, #tpu.memory_space<vmem_shared>>, %arg20: memref<!tpu.dma_semaphore, #tpu.memory_space<semaphore_mem>>, %arg21: memref<!tpu.dma_semaphore, #tpu.memory_space<semaphore_mem>>) attributes {dimension_semantics = [#tpu.dimension_semantics<core_parallel>, #tpu.dimension_semantics<subcore_parallel>], iteration_bounds = array<i64: 2, 16>, scalar_prefetch = 0 : i64, scratch_operands = 15 : i64, tpu.core_type = #tpu.core_type<sc_vector_subcore>, window_params = [{transform_indices = #map}, {transform_indices = #map1}, {transform_indices = #map}, {transform_indices = #map}, {transform_indices = #map}]} {
    %mul3A = arith.constant 16 : i32
    %mul3A_0 = arith.muli %arg0, %mul3A : i32
    %add3A = arith.addi %mul3A_0, %arg1 : i32
    %sub3A = arith.constant 24 : i32
    %sub3A_1 = arith.subi %add3A, %sub3A : i32
    %max3A = arith.constant 0 : i32
    %max3A_2 = arith.maxsi %sub3A_1, %max3A : i32
    %mul3A_3 = arith.constant 156 : i32
    %mul3A_4 = arith.muli %mul3A_3, %add3A : i32
    %add3A_5 = arith.addi %mul3A_4, %max3A_2 : i32
    %mul3A_6 = arith.constant 128 : i32
    %mul3A_7 = arith.muli %add3A_5, %mul3A_6 : i32
    %lt3A = arith.constant 24 : i32
    %lt3A_8 = arith.cmpi slt, %add3A, %lt3A : i32
    %mul3A_9 = arith.constant 640 : i32
    %mul3A_10 = arith.muli %arg1, %mul3A_9 : i32
    %dma_start3A = arith.constant 0 : i32
    %dma_start3A_11 = tpu.memref_slice %arg2[%dma_start3A, %mul3A_7] : memref<2x640000xi32, #tpu.memory_space<hbm>> -> memref<2x10112xi32, #tpu.memory_space<hbm>>
    %dma_start3A_12 = arith.constant 0 : i32
    %dma_start3A_13 = tpu.memref_slice %arg2[%dma_start3A_12, %mul3A_7] : memref<2x640000xi32, #tpu.memory_space<hbm>> -> memref<2x10112xi32, #tpu.memory_space<hbm>>
    tpu.enqueue_dma source(%dma_start3A_13 : memref<2x10112xi32, #tpu.memory_space<hbm>>) target(%arg7 : memref<2x10112xi32, #tpu.memory_space<vmem>>) target_semaphore(%arg20 : memref<!tpu.dma_semaphore, #tpu.memory_space<semaphore_mem>>)
    %add3A_14 = arith.constant 10112 : i32
    %add3A_15 = arith.addi %mul3A_7, %add3A_14 : i32
    %dma_start3A_16 = arith.constant 0 : i32
    %dma_start3A_17 = tpu.memref_slice %arg2[%dma_start3A_16, %add3A_15] : memref<2x640000xi32, #tpu.memory_space<hbm>> -> memref<2x9984xi32, #tpu.memory_space<hbm>>
    %dma_start3A_18 = arith.constant 0 : i32
    %dma_start3A_19 = tpu.memref_slice %arg2[%dma_start3A_18, %add3A_15] : memref<2x640000xi32, #tpu.memory_space<hbm>> -> memref<2x9984xi32, #tpu.memory_space<hbm>>
    tpu.enqueue_dma source(%dma_start3A_19 : memref<2x9984xi32, #tpu.memory_space<hbm>>) target(%arg8 : memref<2x9984xi32, #tpu.memory_space<vmem>>) target_semaphore(%arg21 : memref<!tpu.dma_semaphore, #tpu.memory_space<semaphore_mem>>)
    %scan3A = arith.constant 0 : i32
    %scan3A_20 = arith.constant 40 : i32
    %scan3A_21 = arith.addi %scan3A, %scan3A_20 : i32
    %scan3A_22 = arith.constant 8 : i32
    scf.for %scan3A_57 = %scan3A to %scan3A_21 step %scan3A_22  : i32 {
      %mul3A_58 = arith.constant 1 : i32
      %mul3A_59 = arith.muli %scan3A_57, %mul3A_58 : i32
      %add3A_60 = arith.constant 0 : i32
      %add3A_61 = arith.addi %add3A_60, %mul3A_59 : i32
      %broadcast_in_dim3A = arith.constant 0.000000e+00 : f32
      %broadcast_in_dim3A_62 = vector.broadcast %broadcast_in_dim3A : f32 to vector<16xf32>
      %mul3A_63 = arith.constant 16 : i32
      %mul3A_64 = arith.muli %add3A_61, %mul3A_63 : i32
      %swap3A = arith.index_cast %mul3A_64 : i32 to index
      %swap3A_65 = tpu.vector_load %arg18[%swap3A] {strides = array<i32>} : memref<640xf32, #tpu.memory_space<vmem>>, vector<16xf32>,
      tpu.vector_store %arg18[%swap3A], %broadcast_in_dim3A_62 {strides = array<i32>} : memref<640xf32, #tpu.memory_space<vmem>>, vector<16xf32>,
      %scan3A_66 = arith.constant 1 : i32
      %scan3A_67 = arith.addi %scan3A_57, %scan3A_66 : i32
      %mul3A_68 = arith.constant 1 : i32
      %mul3A_69 = arith.muli %scan3A_67, %mul3A_68 : i32
      %add3A_70 = arith.constant 0 : i32
      %add3A_71 = arith.addi %add3A_70, %mul3A_69 : i32
      %broadcast_in_dim3A_72 = arith.constant 0.000000e+00 : f32
      %broadcast_in_dim3A_73 = vector.broadcast %broadcast_in_dim3A_72 : f32 to vector<16xf32>
      %mul3A_74 = arith.constant 16 : i32
      %mul3A_75 = arith.muli %add3A_71, %mul3A_74 : i32
      %swap3A_76 = arith.index_cast %mul3A_75 : i32 to index
      %swap3A_77 = tpu.vector_load %arg18[%swap3A_76] {strides = array<i32>} : memref<640xf32, #tpu.memory_space<vmem>>, vector<16xf32>,
      tpu.vector_store %arg18[%swap3A_76], %broadcast_in_dim3A_73 {strides = array<i32>} : memref<640xf32, #tpu.memory_space<vmem>>, vector<16xf32>,
      %scan3A_78 = arith.constant 2 : i32
      %scan3A_79 = arith.addi %scan3A_57, %scan3A_78 : i32
      %mul3A_80 = arith.constant 1 : i32
      %mul3A_81 = arith.muli %scan3A_79, %mul3A_80 : i32
      %add3A_82 = arith.constant 0 : i32
      %add3A_83 = arith.addi %add3A_82, %mul3A_81 : i32
      %broadcast_in_dim3A_84 = arith.constant 0.000000e+00 : f32
      %broadcast_in_dim3A_85 = vector.broadcast %broadcast_in_dim3A_84 : f32 to vector<16xf32>
      %mul3A_86 = arith.constant 16 : i32
      %mul3A_87 = arith.muli %add3A_83, %mul3A_86 : i32
      %swap3A_88 = arith.index_cast %mul3A_87 : i32 to index
      %swap3A_89 = tpu.vector_load %arg18[%swap3A_88] {strides = array<i32>} : memref<640xf32, #tpu.memory_space<vmem>>, vector<16xf32>,
      tpu.vector_store %arg18[%swap3A_88], %broadcast_in_dim3A_85 {strides = array<i32>} : memref<640xf32, #tpu.memory_space<vmem>>, vector<16xf32>,
      %scan3A_90 = arith.constant 3 : i32
      %scan3A_91 = arith.addi %scan3A_57, %scan3A_90 : i32
      %mul3A_92 = arith.constant 1 : i32
      %mul3A_93 = arith.muli %scan3A_91, %mul3A_92 : i32
      %add3A_94 = arith.constant 0 : i32
      %add3A_95 = arith.addi %add3A_94, %mul3A_93 : i32
      %broadcast_in_dim3A_96 = arith.constant 0.000000e+00 : f32
      %broadcast_in_dim3A_97 = vector.broadcast %broadcast_in_dim3A_96 : f32 to vector<16xf32>
      %mul3A_98 = arith.constant 16 : i32
      %mul3A_99 = arith.muli %add3A_95, %mul3A_98 : i32
      %swap3A_100 = arith.index_cast %mul3A_99 : i32 to index
      %swap3A_101 = tpu.vector_load %arg18[%swap3A_100] {strides = array<i32>} : memref<640xf32, #tpu.memory_space<vmem>>, vector<16xf32>,
      tpu.vector_store %arg18[%swap3A_100], %broadcast_in_dim3A_97 {strides = array<i32>} : memref<640xf32, #tpu.memory_space<vmem>>, vector<16xf32>,
      %scan3A_102 = arith.constant 4 : i32
      %scan3A_103 = arith.addi %scan3A_57, %scan3A_102 : i32
      %mul3A_104 = arith.constant 1 : i32
      %mul3A_105 = arith.muli %scan3A_103, %mul3A_104 : i32
      %add3A_106 = arith.constant 0 : i32
      %add3A_107 = arith.addi %add3A_106, %mul3A_105 : i32
      %broadcast_in_dim3A_108 = arith.constant 0.000000e+00 : f32
      %broadcast_in_dim3A_109 = vector.broadcast %broadcast_in_dim3A_108 : f32 to vector<16xf32>
      %mul3A_110 = arith.constant 16 : i32
      %mul3A_111 = arith.muli %add3A_107, %mul3A_110 : i32
      %swap3A_112 = arith.index_cast %mul3A_111 : i32 to index
      %swap3A_113 = tpu.vector_load %arg18[%swap3A_112] {strides = array<i32>} : memref<640xf32, #tpu.memory_space<vmem>>, vector<16xf32>,
      tpu.vector_store %arg18[%swap3A_112], %broadcast_in_dim3A_109 {strides = array<i32>} : memref<640xf32, #tpu.memory_space<vmem>>, vector<16xf32>,
      %scan3A_114 = arith.constant 5 : i32
      %scan3A_115 = arith.addi %scan3A_57, %scan3A_114 : i32
      %mul3A_116 = arith.constant 1 : i32
      %mul3A_117 = arith.muli %scan3A_115, %mul3A_116 : i32
      %add3A_118 = arith.constant 0 : i32
      %add3A_119 = arith.addi %add3A_118, %mul3A_117 : i32
      %broadcast_in_dim3A_120 = arith.constant 0.000000e+00 : f32
      %broadcast_in_dim3A_121 = vector.broadcast %broadcast_in_dim3A_120 : f32 to vector<16xf32>
      %mul3A_122 = arith.constant 16 : i32
      %mul3A_123 = arith.muli %add3A_119, %mul3A_122 : i32
      %swap3A_124 = arith.index_cast %mul3A_123 : i32 to index
      %swap3A_125 = tpu.vector_load %arg18[%swap3A_124] {strides = array<i32>} : memref<640xf32, #tpu.memory_space<vmem>>, vector<16xf32>,
      tpu.vector_store %arg18[%swap3A_124], %broadcast_in_dim3A_121 {strides = array<i32>} : memref<640xf32, #tpu.memory_space<vmem>>, vector<16xf32>,
      %scan3A_126 = arith.constant 6 : i32
      %scan3A_127 = arith.addi %scan3A_57, %scan3A_126 : i32
      %mul3A_128 = arith.constant 1 : i32
      %mul3A_129 = arith.muli %scan3A_127, %mul3A_128 : i32
      %add3A_130 = arith.constant 0 : i32
      %add3A_131 = arith.addi %add3A_130, %mul3A_129 : i32
      %broadcast_in_dim3A_132 = arith.constant 0.000000e+00 : f32
      %broadcast_in_dim3A_133 = vector.broadcast %broadcast_in_dim3A_132 : f32 to vector<16xf32>
      %mul3A_134 = arith.constant 16 : i32
      %mul3A_135 = arith.muli %add3A_131, %mul3A_134 : i32
      %swap3A_136 = arith.index_cast %mul3A_135 : i32 to index
      %swap3A_137 = tpu.vector_load %arg18[%swap3A_136] {strides = array<i32>} : memref<640xf32, #tpu.memory_space<vmem>>, vector<16xf32>,
      tpu.vector_store %arg18[%swap3A_136], %broadcast_in_dim3A_133 {strides = array<i32>} : memref<640xf32, #tpu.memory_space<vmem>>, vector<16xf32>,
      %scan3A_138 = arith.constant 7 : i32
      %scan3A_139 = arith.addi %scan3A_57, %scan3A_138 : i32
      %mul3A_140 = arith.constant 1 : i32
      %mul3A_141 = arith.muli %scan3A_139, %mul3A_140 : i32
      %add3A_142 = arith.constant 0 : i32
      %add3A_143 = arith.addi %add3A_142, %mul3A_141 : i32
      %broadcast_in_dim3A_144 = arith.constant 0.000000e+00 : f32
      %broadcast_in_dim3A_145 = vector.broadcast %broadcast_in_dim3A_144 : f32 to vector<16xf32>
      %mul3A_146 = arith.constant 16 : i32
      %mul3A_147 = arith.muli %add3A_143, %mul3A_146 : i32
      %swap3A_148 = arith.index_cast %mul3A_147 : i32 to index
      %swap3A_149 = tpu.vector_load %arg18[%swap3A_148] {strides = array<i32>} : memref<640xf32, #tpu.memory_space<vmem>>, vector<16xf32>,
      tpu.vector_store %arg18[%swap3A_148], %broadcast_in_dim3A_145 {strides = array<i32>} : memref<640xf32, #tpu.memory_space<vmem>>, vector<16xf32>,
    }
    %scan3A_23 = arith.constant 40 : i32
    "tpu.region"() ({
      %run_scoped3A_57 = tpu.sem_alloc : memref<!tpu.dma_semaphore, #tpu.memory_space<semaphore_mem>>
      %dma_start3A_58 = tpu.memref_slice %arg19[%mul3A_10] : memref<10240xf32, #tpu.memory_space<vmem_shared>> -> memref<640xf32, #tpu.memory_space<vmem_shared>>
      %dma_start3A_59 = tpu.memref_slice %arg19[%mul3A_10] : memref<10240xf32, #tpu.memory_space<vmem_shared>> -> memref<640xf32, #tpu.memory_space<vmem_shared>>
      tpu.enqueue_dma source(%arg18 : memref<640xf32, #tpu.memory_space<vmem>>) target(%dma_start3A_59 : memref<640xf32, #tpu.memory_space<vmem_shared>>) target_semaphore(%run_scoped3A_57 : memref<!tpu.dma_semaphore, #tpu.memory_space<semaphore_mem>>)
      %dma_wait3A_60 = tpu.memref_slice %arg19[%mul3A_10] : memref<10240xf32, #tpu.memory_space<vmem_shared>> -> memref<640xf32, #tpu.memory_space<vmem_shared>>
      %dma_wait3A_61 = tpu.memref_slice %arg19[%mul3A_10] : memref<10240xf32, #tpu.memory_space<vmem_shared>> -> memref<640xf32, #tpu.memory_space<vmem_shared>>
      tpu.wait_dma2 semaphore(%run_scoped3A_57 : memref<!tpu.dma_semaphore, #tpu.memory_space<semaphore_mem>>) src(%arg18 : memref<640xf32, #tpu.memory_space<vmem>>) dst(%dma_wait3A_61 : memref<640xf32, #tpu.memory_space<vmem_shared>>)
      tpu.yield
    }) : () -> ()
    %run_scoped3A = arith.constant 0 : i32
    "tpu.region"() ({
      %run_scoped3A_57 = tpu.sem_alloc : memref<!tpu.dma_semaphore, #tpu.memory_space<semaphore_mem>>
      %dma_start3A_58 = tpu.memref_slice %arg4[%run_scoped3A, %mul3A_10] : memref<2x10240xf32, #tpu.memory_space<hbm>> -> memref<1x640xf32, #tpu.memory_space<hbm>>
      %dma_start3A_59 = tpu.memref_squeeze %dma_start3A_58 : memref<1x640xf32, #tpu.memory_space<hbm>> -> memref<640xf32, #tpu.memory_space<hbm>>
      %dma_start3A_60 = tpu.memref_slice %arg4[%run_scoped3A, %mul3A_10] : memref<2x10240xf32, #tpu.memory_space<hbm>> -> memref<1x640xf32, #tpu.memory_space<hbm>>
      %dma_start3A_61 = tpu.memref_squeeze %dma_start3A_60 : memref<1x640xf32, #tpu.memory_space<hbm>> -> memref<640xf32, #tpu.memory_space<hbm>>
      tpu.enqueue_dma source(%dma_start3A_61 : memref<640xf32, #tpu.memory_space<hbm>>) target(%arg14 : memref<640xf32, #tpu.memory_space<vmem>>) target_semaphore(%run_scoped3A_57 : memref<!tpu.dma_semaphore, #tpu.memory_space<semaphore_mem>>)
      %dma_wait3A_62 = tpu.memref_slice %arg4[%run_scoped3A, %mul3A_10] : memref<2x10240xf32, #tpu.memory_space<hbm>> -> memref<1x640xf32, #tpu.memory_space<hbm>>
      %dma_wait3A_63 = tpu.memref_squeeze %dma_wait3A_62 : memref<1x640xf32, #tpu.memory_space<hbm>> -> memref<640xf32, #tpu.memory_space<hbm>>
      %dma_wait3A_64 = tpu.memref_slice %arg4[%run_scoped3A, %mul3A_10] : memref<2x10240xf32, #tpu.memory_space<hbm>> -> memref<1x640xf32, #tpu.memory_space<hbm>>
      %dma_wait3A_65 = tpu.memref_squeeze %dma_wait3A_64 : memref<1x640xf32, #tpu.memory_space<hbm>> -> memref<640xf32, #tpu.memory_space<hbm>>
      tpu.wait_dma2 semaphore(%run_scoped3A_57 : memref<!tpu.dma_semaphore, #tpu.memory_space<semaphore_mem>>) src(%dma_wait3A_65 : memref<640xf32, #tpu.memory_space<hbm>>) dst(%arg14 : memref<640xf32, #tpu.memory_space<vmem>>)
      tpu.yield
    }) : () -> ()
    %run_scoped3A_24 = arith.constant 1 : i32
    "tpu.region"() ({
      %run_scoped3A_57 = tpu.sem_alloc : memref<!tpu.dma_semaphore, #tpu.memory_space<semaphore_mem>>
      %dma_start3A_58 = tpu.memref_slice %arg4[%run_scoped3A_24, %mul3A_10] : memref<2x10240xf32, #tpu.memory_space<hbm>> -> memref<1x640xf32, #tpu.memory_space<hbm>>
      %dma_start3A_59 = tpu.memref_squeeze %dma_start3A_58 : memref<1x640xf32, #tpu.memory_space<hbm>> -> memref<640xf32, #tpu.memory_space<hbm>>
      %dma_start3A_60 = tpu.memref_slice %arg4[%run_scoped3A_24, %mul3A_10] : memref<2x10240xf32, #tpu.memory_space<hbm>> -> memref<1x640xf32, #tpu.memory_space<hbm>>
      %dma_start3A_61 = tpu.memref_squeeze %dma_start3A_60 : memref<1x640xf32, #tpu.memory_space<hbm>> -> memref<640xf32, #tpu.memory_space<hbm>>
      tpu.enqueue_dma source(%dma_start3A_61 : memref<640xf32, #tpu.memory_space<hbm>>) target(%arg15 : memref<640xf32, #tpu.memory_space<vmem>>) target_semaphore(%run_scoped3A_57 : memref<!tpu.dma_semaphore, #tpu.memory_space<semaphore_mem>>)
      %dma_wait3A_62 = tpu.memref_slice %arg4[%run_scoped3A_24, %mul3A_10] : memref<2x10240xf32, #tpu.memory_space<hbm>> -> memref<1x640xf32, #tpu.memory_space<hbm>>
      %dma_wait3A_63 = tpu.memref_squeeze %dma_wait3A_62 : memref<1x640xf32, #tpu.memory_space<hbm>> -> memref<640xf32, #tpu.memory_space<hbm>>
      %dma_wait3A_64 = tpu.memref_slice %arg4[%run_scoped3A_24, %mul3A_10] : memref<2x10240xf32, #tpu.memory_space<hbm>> -> memref<1x640xf32, #tpu.memory_space<hbm>>
      %dma_wait3A_65 = tpu.memref_squeeze %dma_wait3A_64 : memref<1x640xf32, #tpu.memory_space<hbm>> -> memref<640xf32, #tpu.memory_space<hbm>>
      tpu.wait_dma2 semaphore(%run_scoped3A_57 : memref<!tpu.dma_semaphore, #tpu.memory_space<semaphore_mem>>) src(%dma_wait3A_65 : memref<640xf32, #tpu.memory_space<hbm>>) dst(%arg15 : memref<640xf32, #tpu.memory_space<vmem>>)
      tpu.yield
    }) : () -> ()
    "tpu.region"() ({
      %run_scoped3A_57 = tpu.sem_alloc : memref<!tpu.dma_semaphore, #tpu.memory_space<semaphore_mem>>
      %dma_start3A_58 = tpu.memref_slice %arg3[%mul3A_10] : memref<10240xf32, #tpu.memory_space<hbm>> -> memref<640xf32, #tpu.memory_space<hbm>>
      %dma_start3A_59 = tpu.memref_slice %arg3[%mul3A_10] : memref<10240xf32, #tpu.memory_space<hbm>> -> memref<640xf32, #tpu.memory_space<hbm>>
      tpu.enqueue_dma source(%dma_start3A_59 : memref<640xf32, #tpu.memory_space<hbm>>) target(%arg16 : memref<640xf32, #tpu.memory_space<vmem>>) target_semaphore(%run_scoped3A_57 : memref<!tpu.dma_semaphore, #tpu.memory_space<semaphore_mem>>)
      %dma_wait3A_60 = tpu.memref_slice %arg3[%mul3A_10] : memref<10240xf32, #tpu.memory_space<hbm>> -> memref<640xf32, #tpu.memory_space<hbm>>
      %dma_wait3A_61 = tpu.memref_slice %arg3[%mul3A_10] : memref<10240xf32, #tpu.memory_space<hbm>> -> memref<640xf32, #tpu.memory_space<hbm>>
      tpu.wait_dma2 semaphore(%run_scoped3A_57 : memref<!tpu.dma_semaphore, #tpu.memory_space<semaphore_mem>>) src(%dma_wait3A_61 : memref<640xf32, #tpu.memory_space<hbm>>) dst(%arg16 : memref<640xf32, #tpu.memory_space<vmem>>)
      tpu.yield
    }) : () -> ()
    %scan3A_25 = arith.constant 0 : i32
    %scan3A_26 = arith.constant 40 : i32
    %scan3A_27 = arith.addi %scan3A_25, %scan3A_26 : i32
    %scan3A_28 = arith.constant 4 : i32
    scf.for %scan3A_57 = %scan3A_25 to %scan3A_27 step %scan3A_28  : i32 {
      %mul3A_58 = arith.constant 1 : i32
      %mul3A_59 = arith.muli %scan3A_57, %mul3A_58 : i32
      %add3A_60 = arith.constant 0 : i32
      %add3A_61 = arith.addi %add3A_60, %mul3A_59 : i32
      %mul3A_62 = arith.constant 16 : i32
      %mul3A_63 = arith.muli %add3A_61, %mul3A_62 : i32
      %get3A = arith.index_cast %mul3A_63 : i32 to index
      %get3A_64 = tpu.vector_load %arg14[%get3A] {strides = array<i32>} : memref<640xf32, #tpu.memory_space<vmem>>, vector<16xf32>,
      %get3A_65 = arith.index_cast %mul3A_63 : i32 to index
      %get3A_66 = tpu.vector_load %arg15[%get3A_65] {strides = array<i32>} : memref<640xf32, #tpu.memory_space<vmem>>, vector<16xf32>,
      %add3A_67 = arith.addf %get3A_64, %get3A_66 : vector<16xf32>
      %add3A_68 = arith.constant 1.000000e+00 : f32
      %add3A_69 = vector.broadcast %add3A_68 : f32 to vector<16xf32>
      %add3A_70 = arith.addf %add3A_67, %add3A_69 : vector<16xf32>
      %get3A_71 = arith.index_cast %mul3A_63 : i32 to index
      %get3A_72 = tpu.vector_load %arg16[%get3A_71] {strides = array<i32>} : memref<640xf32, #tpu.memory_space<vmem>>, vector<16xf32>,
      %bitcast3A = vector.bitcast %add3A_70 : vector<16xf32> to vector<16xi32>
      %broadcast_in_dim3A = arith.constant 1597463007 : i32
      %broadcast_in_dim3A_73 = vector.broadcast %broadcast_in_dim3A : i32 to vector<16xi32>
      %shift_right_arithmetic3A = arith.constant 1 : i32
      %shift_right_arithmetic3A_74 = vector.broadcast %shift_right_arithmetic3A : i32 to vector<16xi32>
      %shift_right_arithmetic3A_75 = arith.shrsi %bitcast3A, %shift_right_arithmetic3A_74 : vector<16xi32>
      %sub3A_76 = arith.subi %broadcast_in_dim3A_73, %shift_right_arithmetic3A_75 : vector<16xi32>
      %bitcast3A_77 = vector.bitcast %sub3A_76 : vector<16xi32> to vector<16xf32>
      %mul3A_78 = arith.constant 5.000000e-01 : f32
      %mul3A_79 = vector.broadcast %mul3A_78 : f32 to vector<16xf32>
      %mul3A_80 = arith.mulf %mul3A_79, %add3A_70 : vector<16xf32>
      %mul3A_81 = arith.mulf %mul3A_80, %bitcast3A_77 : vector<16xf32>
      %mul3A_82 = arith.mulf %mul3A_81, %bitcast3A_77 : vector<16xf32>
      %sub3A_83 = arith.constant 1.500000e+00 : f32
      %sub3A_84 = vector.broadcast %sub3A_83 : f32 to vector<16xf32>
      %sub3A_85 = arith.subf %sub3A_84, %mul3A_82 : vector<16xf32>
      %mul3A_86 = arith.mulf %bitcast3A_77, %sub3A_85 : vector<16xf32>
      %mul3A_87 = arith.constant 5.000000e-01 : f32
      %mul3A_88 = vector.broadcast %mul3A_87 : f32 to vector<16xf32>
      %mul3A_89 = arith.mulf %mul3A_88, %add3A_70 : vector<16xf32>
      %mul3A_90 = arith.mulf %mul3A_89, %mul3A_86 : vector<16xf32>
      %mul3A_91 = arith.mulf %mul3A_90, %mul3A_86 : vector<16xf32>
      %sub3A_92 = arith.constant 1.500000e+00 : f32
      %sub3A_93 = vector.broadcast %sub3A_92 : f32 to vector<16xf32>
      %sub3A_94 = arith.subf %sub3A_93, %mul3A_91 : vector<16xf32>
      %mul3A_95 = arith.mulf %mul3A_86, %sub3A_94 : vector<16xf32>
      %mul3A_96 = arith.constant 5.000000e-01 : f32
      %mul3A_97 = vector.broadcast %mul3A_96 : f32 to vector<16xf32>
      %mul3A_98 = arith.mulf %mul3A_97, %add3A_70 : vector<16xf32>
      %mul3A_99 = arith.mulf %mul3A_98, %mul3A_95 : vector<16xf32>
      %mul3A_100 = arith.mulf %mul3A_99, %mul3A_95 : vector<16xf32>
      %sub3A_101 = arith.constant 1.500000e+00 : f32
      %sub3A_102 = vector.broadcast %sub3A_101 : f32 to vector<16xf32>
      %sub3A_103 = arith.subf %sub3A_102, %mul3A_100 : vector<16xf32>
      %mul3A_104 = arith.mulf %mul3A_95, %sub3A_103 : vector<16xf32>
      %mul3A_105 = arith.mulf %get3A_72, %mul3A_104 : vector<16xf32>
      %swap3A = arith.index_cast %mul3A_63 : i32 to index
      %swap3A_106 = tpu.vector_load %arg17[%swap3A] {strides = array<i32>} : memref<640xf32, #tpu.memory_space<vmem>>, vector<16xf32>,
      tpu.vector_store %arg17[%swap3A], %mul3A_105 {strides = array<i32>} : memref<640xf32, #tpu.memory_space<vmem>>, vector<16xf32>,
      %scan3A_107 = arith.constant 1 : i32
      %scan3A_108 = arith.addi %scan3A_57, %scan3A_107 : i32
      %mul3A_109 = arith.constant 1 : i32
      %mul3A_110 = arith.muli %scan3A_108, %mul3A_109 : i32
      %add3A_111 = arith.constant 0 : i32
      %add3A_112 = arith.addi %add3A_111, %mul3A_110 : i32
      %mul3A_113 = arith.constant 16 : i32
      %mul3A_114 = arith.muli %add3A_112, %mul3A_113 : i32
      %get3A_115 = arith.index_cast %mul3A_114 : i32 to index
      %get3A_116 = tpu.vector_load %arg14[%get3A_115] {strides = array<i32>} : memref<640xf32, #tpu.memory_space<vmem>>, vector<16xf32>,
      %get3A_117 = arith.index_cast %mul3A_114 : i32 to index
      %get3A_118 = tpu.vector_load %arg15[%get3A_117] {strides = array<i32>} : memref<640xf32, #tpu.memory_space<vmem>>, vector<16xf32>,
      %add3A_119 = arith.addf %get3A_116, %get3A_118 : vector<16xf32>
      %add3A_120 = arith.constant 1.000000e+00 : f32
      %add3A_121 = vector.broadcast %add3A_120 : f32 to vector<16xf32>
      %add3A_122 = arith.addf %add3A_119, %add3A_121 : vector<16xf32>
      %get3A_123 = arith.index_cast %mul3A_114 : i32 to index
      %get3A_124 = tpu.vector_load %arg16[%get3A_123] {strides = array<i32>} : memref<640xf32, #tpu.memory_space<vmem>>, vector<16xf32>,
      %bitcast3A_125 = vector.bitcast %add3A_122 : vector<16xf32> to vector<16xi32>
      %broadcast_in_dim3A_126 = arith.constant 1597463007 : i32
      %broadcast_in_dim3A_127 = vector.broadcast %broadcast_in_dim3A_126 : i32 to vector<16xi32>
      %shift_right_arithmetic3A_128 = arith.constant 1 : i32
      %shift_right_arithmetic3A_129 = vector.broadcast %shift_right_arithmetic3A_128 : i32 to vector<16xi32>
      %shift_right_arithmetic3A_130 = arith.shrsi %bitcast3A_125, %shift_right_arithmetic3A_129 : vector<16xi32>
      %sub3A_131 = arith.subi %broadcast_in_dim3A_127, %shift_right_arithmetic3A_130 : vector<16xi32>
      %bitcast3A_132 = vector.bitcast %sub3A_131 : vector<16xi32> to vector<16xf32>
      %mul3A_133 = arith.constant 5.000000e-01 : f32
      %mul3A_134 = vector.broadcast %mul3A_133 : f32 to vector<16xf32>
      %mul3A_135 = arith.mulf %mul3A_134, %add3A_122 : vector<16xf32>
      %mul3A_136 = arith.mulf %mul3A_135, %bitcast3A_132 : vector<16xf32>
      %mul3A_137 = arith.mulf %mul3A_136, %bitcast3A_132 : vector<16xf32>
      %sub3A_138 = arith.constant 1.500000e+00 : f32
      %sub3A_139 = vector.broadcast %sub3A_138 : f32 to vector<16xf32>
      %sub3A_140 = arith.subf %sub3A_139, %mul3A_137 : vector<16xf32>
      %mul3A_141 = arith.mulf %bitcast3A_132, %sub3A_140 : vector<16xf32>
      %mul3A_142 = arith.constant 5.000000e-01 : f32
      %mul3A_143 = vector.broadcast %mul3A_142 : f32 to vector<16xf32>
      %mul3A_144 = arith.mulf %mul3A_143, %add3A_122 : vector<16xf32>
      %mul3A_145 = arith.mulf %mul3A_144, %mul3A_141 : vector<16xf32>
      %mul3A_146 = arith.mulf %mul3A_145, %mul3A_141 : vector<16xf32>
      %sub3A_147 = arith.constant 1.500000e+00 : f32
      %sub3A_148 = vector.broadcast %sub3A_147 : f32 to vector<16xf32>
      %sub3A_149 = arith.subf %sub3A_148, %mul3A_146 : vector<16xf32>
      %mul3A_150 = arith.mulf %mul3A_141, %sub3A_149 : vector<16xf32>
      %mul3A_151 = arith.constant 5.000000e-01 : f32
      %mul3A_152 = vector.broadcast %mul3A_151 : f32 to vector<16xf32>
      %mul3A_153 = arith.mulf %mul3A_152, %add3A_122 : vector<16xf32>
      %mul3A_154 = arith.mulf %mul3A_153, %mul3A_150 : vector<16xf32>
      %mul3A_155 = arith.mulf %mul3A_154, %mul3A_150 : vector<16xf32>
      %sub3A_156 = arith.constant 1.500000e+00 : f32
      %sub3A_157 = vector.broadcast %sub3A_156 : f32 to vector<16xf32>
      %sub3A_158 = arith.subf %sub3A_157, %mul3A_155 : vector<16xf32>
      %mul3A_159 = arith.mulf %mul3A_150, %sub3A_158 : vector<16xf32>
      %mul3A_160 = arith.mulf %get3A_124, %mul3A_159 : vector<16xf32>
      %swap3A_161 = arith.index_cast %mul3A_114 : i32 to index
      %swap3A_162 = tpu.vector_load %arg17[%swap3A_161] {strides = array<i32>} : memref<640xf32, #tpu.memory_space<vmem>>, vector<16xf32>,
      tpu.vector_store %arg17[%swap3A_161], %mul3A_160 {strides = array<i32>} : memref<640xf32, #tpu.memory_space<vmem>>, vector<16xf32>,
      %scan3A_163 = arith.constant 2 : i32
      %scan3A_164 = arith.addi %scan3A_57, %scan3A_163 : i32
      %mul3A_165 = arith.constant 1 : i32
      %mul3A_166 = arith.muli %scan3A_164, %mul3A_165 : i32
      %add3A_167 = arith.constant 0 : i32
      %add3A_168 = arith.addi %add3A_167, %mul3A_166 : i32
      %mul3A_169 = arith.constant 16 : i32
      %mul3A_170 = arith.muli %add3A_168, %mul3A_169 : i32
      %get3A_171 = arith.index_cast %mul3A_170 : i32 to index
      %get3A_172 = tpu.vector_load %arg14[%get3A_171] {strides = array<i32>} : memref<640xf32, #tpu.memory_space<vmem>>, vector<16xf32>,
      %get3A_173 = arith.index_cast %mul3A_170 : i32 to index
      %get3A_174 = tpu.vector_load %arg15[%get3A_173] {strides = array<i32>} : memref<640xf32, #tpu.memory_space<vmem>>, vector<16xf32>,
      %add3A_175 = arith.addf %get3A_172, %get3A_174 : vector<16xf32>
      %add3A_176 = arith.constant 1.000000e+00 : f32
      %add3A_177 = vector.broadcast %add3A_176 : f32 to vector<16xf32>
      %add3A_178 = arith.addf %add3A_175, %add3A_177 : vector<16xf32>
      %get3A_179 = arith.index_cast %mul3A_170 : i32 to index
      %get3A_180 = tpu.vector_load %arg16[%get3A_179] {strides = array<i32>} : memref<640xf32, #tpu.memory_space<vmem>>, vector<16xf32>,
      %bitcast3A_181 = vector.bitcast %add3A_178 : vector<16xf32> to vector<16xi32>
      %broadcast_in_dim3A_182 = arith.constant 1597463007 : i32
      %broadcast_in_dim3A_183 = vector.broadcast %broadcast_in_dim3A_182 : i32 to vector<16xi32>
      %shift_right_arithmetic3A_184 = arith.constant 1 : i32
      %shift_right_arithmetic3A_185 = vector.broadcast %shift_right_arithmetic3A_184 : i32 to vector<16xi32>
      %shift_right_arithmetic3A_186 = arith.shrsi %bitcast3A_181, %shift_right_arithmetic3A_185 : vector<16xi32>
      %sub3A_187 = arith.subi %broadcast_in_dim3A_183, %shift_right_arithmetic3A_186 : vector<16xi32>
      %bitcast3A_188 = vector.bitcast %sub3A_187 : vector<16xi32> to vector<16xf32>
      %mul3A_189 = arith.constant 5.000000e-01 : f32
      %mul3A_190 = vector.broadcast %mul3A_189 : f32 to vector<16xf32>
      %mul3A_191 = arith.mulf %mul3A_190, %add3A_178 : vector<16xf32>
      %mul3A_192 = arith.mulf %mul3A_191, %bitcast3A_188 : vector<16xf32>
      %mul3A_193 = arith.mulf %mul3A_192, %bitcast3A_188 : vector<16xf32>
      %sub3A_194 = arith.constant 1.500000e+00 : f32
      %sub3A_195 = vector.broadcast %sub3A_194 : f32 to vector<16xf32>
      %sub3A_196 = arith.subf %sub3A_195, %mul3A_193 : vector<16xf32>
      %mul3A_197 = arith.mulf %bitcast3A_188, %sub3A_196 : vector<16xf32>
      %mul3A_198 = arith.constant 5.000000e-01 : f32
      %mul3A_199 = vector.broadcast %mul3A_198 : f32 to vector<16xf32>
      %mul3A_200 = arith.mulf %mul3A_199, %add3A_178 : vector<16xf32>
      %mul3A_201 = arith.mulf %mul3A_200, %mul3A_197 : vector<16xf32>
      %mul3A_202 = arith.mulf %mul3A_201, %mul3A_197 : vector<16xf32>
      %sub3A_203 = arith.constant 1.500000e+00 : f32
      %sub3A_204 = vector.broadcast %sub3A_203 : f32 to vector<16xf32>
      %sub3A_205 = arith.subf %sub3A_204, %mul3A_202 : vector<16xf32>
      %mul3A_206 = arith.mulf %mul3A_197, %sub3A_205 : vector<16xf32>
      %mul3A_207 = arith.constant 5.000000e-01 : f32
      %mul3A_208 = vector.broadcast %mul3A_207 : f32 to vector<16xf32>
      %mul3A_209 = arith.mulf %mul3A_208, %add3A_178 : vector<16xf32>
      %mul3A_210 = arith.mulf %mul3A_209, %mul3A_206 : vector<16xf32>
      %mul3A_211 = arith.mulf %mul3A_210, %mul3A_206 : vector<16xf32>
      %sub3A_212 = arith.constant 1.500000e+00 : f32
      %sub3A_213 = vector.broadcast %sub3A_212 : f32 to vector<16xf32>
      %sub3A_214 = arith.subf %sub3A_213, %mul3A_211 : vector<16xf32>
      %mul3A_215 = arith.mulf %mul3A_206, %sub3A_214 : vector<16xf32>
      %mul3A_216 = arith.mulf %get3A_180, %mul3A_215 : vector<16xf32>
      %swap3A_217 = arith.index_cast %mul3A_170 : i32 to index
      %swap3A_218 = tpu.vector_load %arg17[%swap3A_217] {strides = array<i32>} : memref<640xf32, #tpu.memory_space<vmem>>, vector<16xf32>,
      tpu.vector_store %arg17[%swap3A_217], %mul3A_216 {strides = array<i32>} : memref<640xf32, #tpu.memory_space<vmem>>, vector<16xf32>,
      %scan3A_219 = arith.constant 3 : i32
      %scan3A_220 = arith.addi %scan3A_57, %scan3A_219 : i32
      %mul3A_221 = arith.constant 1 : i32
      %mul3A_222 = arith.muli %scan3A_220, %mul3A_221 : i32
      %add3A_223 = arith.constant 0 : i32
      %add3A_224 = arith.addi %add3A_223, %mul3A_222 : i32
      %mul3A_225 = arith.constant 16 : i32
      %mul3A_226 = arith.muli %add3A_224, %mul3A_225 : i32
      %get3A_227 = arith.index_cast %mul3A_226 : i32 to index
      %get3A_228 = tpu.vector_load %arg14[%get3A_227] {strides = array<i32>} : memref<640xf32, #tpu.memory_space<vmem>>, vector<16xf32>,
      %get3A_229 = arith.index_cast %mul3A_226 : i32 to index
      %get3A_230 = tpu.vector_load %arg15[%get3A_229] {strides = array<i32>} : memref<640xf32, #tpu.memory_space<vmem>>, vector<16xf32>,
      %add3A_231 = arith.addf %get3A_228, %get3A_230 : vector<16xf32>
      %add3A_232 = arith.constant 1.000000e+00 : f32
      %add3A_233 = vector.broadcast %add3A_232 : f32 to vector<16xf32>
      %add3A_234 = arith.addf %add3A_231, %add3A_233 : vector<16xf32>
      %get3A_235 = arith.index_cast %mul3A_226 : i32 to index
      %get3A_236 = tpu.vector_load %arg16[%get3A_235] {strides = array<i32>} : memref<640xf32, #tpu.memory_space<vmem>>, vector<16xf32>,
      %bitcast3A_237 = vector.bitcast %add3A_234 : vector<16xf32> to vector<16xi32>
      %broadcast_in_dim3A_238 = arith.constant 1597463007 : i32
      %broadcast_in_dim3A_239 = vector.broadcast %broadcast_in_dim3A_238 : i32 to vector<16xi32>
      %shift_right_arithmetic3A_240 = arith.constant 1 : i32
      %shift_right_arithmetic3A_241 = vector.broadcast %shift_right_arithmetic3A_240 : i32 to vector<16xi32>
      %shift_right_arithmetic3A_242 = arith.shrsi %bitcast3A_237, %shift_right_arithmetic3A_241 : vector<16xi32>
      %sub3A_243 = arith.subi %broadcast_in_dim3A_239, %shift_right_arithmetic3A_242 : vector<16xi32>
      %bitcast3A_244 = vector.bitcast %sub3A_243 : vector<16xi32> to vector<16xf32>
      %mul3A_245 = arith.constant 5.000000e-01 : f32
      %mul3A_246 = vector.broadcast %mul3A_245 : f32 to vector<16xf32>
      %mul3A_247 = arith.mulf %mul3A_246, %add3A_234 : vector<16xf32>
      %mul3A_248 = arith.mulf %mul3A_247, %bitcast3A_244 : vector<16xf32>
      %mul3A_249 = arith.mulf %mul3A_248, %bitcast3A_244 : vector<16xf32>
      %sub3A_250 = arith.constant 1.500000e+00 : f32
      %sub3A_251 = vector.broadcast %sub3A_250 : f32 to vector<16xf32>
      %sub3A_252 = arith.subf %sub3A_251, %mul3A_249 : vector<16xf32>
      %mul3A_253 = arith.mulf %bitcast3A_244, %sub3A_252 : vector<16xf32>
      %mul3A_254 = arith.constant 5.000000e-01 : f32
      %mul3A_255 = vector.broadcast %mul3A_254 : f32 to vector<16xf32>
      %mul3A_256 = arith.mulf %mul3A_255, %add3A_234 : vector<16xf32>
      %mul3A_257 = arith.mulf %mul3A_256, %mul3A_253 : vector<16xf32>
      %mul3A_258 = arith.mulf %mul3A_257, %mul3A_253 : vector<16xf32>
      %sub3A_259 = arith.constant 1.500000e+00 : f32
      %sub3A_260 = vector.broadcast %sub3A_259 : f32 to vector<16xf32>
      %sub3A_261 = arith.subf %sub3A_260, %mul3A_258 : vector<16xf32>
      %mul3A_262 = arith.mulf %mul3A_253, %sub3A_261 : vector<16xf32>
      %mul3A_263 = arith.constant 5.000000e-01 : f32
      %mul3A_264 = vector.broadcast %mul3A_263 : f32 to vector<16xf32>
      %mul3A_265 = arith.mulf %mul3A_264, %add3A_234 : vector<16xf32>
      %mul3A_266 = arith.mulf %mul3A_265, %mul3A_262 : vector<16xf32>
      %mul3A_267 = arith.mulf %mul3A_266, %mul3A_262 : vector<16xf32>
      %sub3A_268 = arith.constant 1.500000e+00 : f32
      %sub3A_269 = vector.broadcast %sub3A_268 : f32 to vector<16xf32>
      %sub3A_270 = arith.subf %sub3A_269, %mul3A_267 : vector<16xf32>
      %mul3A_271 = arith.mulf %mul3A_262, %sub3A_270 : vector<16xf32>
      %mul3A_272 = arith.mulf %get3A_236, %mul3A_271 : vector<16xf32>
      %swap3A_273 = arith.index_cast %mul3A_226 : i32 to index
      %swap3A_274 = tpu.vector_load %arg17[%swap3A_273] {strides = array<i32>} : memref<640xf32, #tpu.memory_space<vmem>>, vector<16xf32>,
      tpu.vector_store %arg17[%swap3A_273], %mul3A_272 {strides = array<i32>} : memref<640xf32, #tpu.memory_space<vmem>>, vector<16xf32>,
    }
    %scan3A_29 = arith.constant 40 : i32
    "tpu.region"() ({
      %run_scoped3A_57 = tpu.sem_alloc : memref<!tpu.dma_semaphore, #tpu.memory_space<semaphore_mem>>
      %dma_start3A_58 = tpu.memref_slice %arg6[%arg0, %mul3A_10] : memref<2x10240xf32, #tpu.memory_space<hbm>> -> memref<1x640xf32, #tpu.memory_space<hbm>>
      %dma_start3A_59 = tpu.memref_squeeze %dma_start3A_58 : memref<1x640xf32, #tpu.memory_space<hbm>> -> memref<640xf32, #tpu.memory_space<hbm>>
      %dma_start3A_60 = tpu.memref_slice %arg6[%arg0, %mul3A_10] : memref<2x10240xf32, #tpu.memory_space<hbm>> -> memref<1x640xf32, #tpu.memory_space<hbm>>
      %dma_start3A_61 = tpu.memref_squeeze %dma_start3A_60 : memref<1x640xf32, #tpu.memory_space<hbm>> -> memref<640xf32, #tpu.memory_space<hbm>>
      tpu.enqueue_dma source(%arg17 : memref<640xf32, #tpu.memory_space<vmem>>) target(%dma_start3A_61 : memref<640xf32, #tpu.memory_space<hbm>>) target_semaphore(%run_scoped3A_57 : memref<!tpu.dma_semaphore, #tpu.memory_space<semaphore_mem>>)
      %dma_wait3A_62 = tpu.memref_slice %arg6[%arg0, %mul3A_10] : memref<2x10240xf32, #tpu.memory_space<hbm>> -> memref<1x640xf32, #tpu.memory_space<hbm>>
      %dma_wait3A_63 = tpu.memref_squeeze %dma_wait3A_62 : memref<1x640xf32, #tpu.memory_space<hbm>> -> memref<640xf32, #tpu.memory_space<hbm>>
      %dma_wait3A_64 = tpu.memref_slice %arg6[%arg0, %mul3A_10] : memref<2x10240xf32, #tpu.memory_space<hbm>> -> memref<1x640xf32, #tpu.memory_space<hbm>>
      %dma_wait3A_65 = tpu.memref_squeeze %dma_wait3A_64 : memref<1x640xf32, #tpu.memory_space<hbm>> -> memref<640xf32, #tpu.memory_space<hbm>>
      tpu.wait_dma2 semaphore(%run_scoped3A_57 : memref<!tpu.dma_semaphore, #tpu.memory_space<semaphore_mem>>) src(%arg17 : memref<640xf32, #tpu.memory_space<vmem>>) dst(%dma_wait3A_65 : memref<640xf32, #tpu.memory_space<hbm>>)
      tpu.yield
    }) : () -> ()
    %dma_wait3A = arith.constant 0 : i32
    %dma_wait3A_30 = tpu.memref_slice %arg2[%dma_wait3A, %mul3A_7] : memref<2x640000xi32, #tpu.memory_space<hbm>> -> memref<2x10112xi32, #tpu.memory_space<hbm>>
    %dma_wait3A_31 = arith.constant 0 : i32
    %dma_wait3A_32 = tpu.memref_slice %arg2[%dma_wait3A_31, %mul3A_7] : memref<2x640000xi32, #tpu.memory_space<hbm>> -> memref<2x10112xi32, #tpu.memory_space<hbm>>
    tpu.wait_dma2 semaphore(%arg20 : memref<!tpu.dma_semaphore, #tpu.memory_space<semaphore_mem>>) src(%dma_wait3A_32 : memref<2x10112xi32, #tpu.memory_space<hbm>>) dst(%arg7 : memref<2x10112xi32, #tpu.memory_space<vmem>>)
    %dma_wait3A_33 = arith.constant 0 : i32
    %dma_wait3A_34 = tpu.memref_slice %arg2[%dma_wait3A_33, %add3A_15] : memref<2x640000xi32, #tpu.memory_space<hbm>> -> memref<2x9984xi32, #tpu.memory_space<hbm>>
    %dma_wait3A_35 = arith.constant 0 : i32
    %dma_wait3A_36 = tpu.memref_slice %arg2[%dma_wait3A_35, %add3A_15] : memref<2x640000xi32, #tpu.memory_space<hbm>> -> memref<2x9984xi32, #tpu.memory_space<hbm>>
    tpu.wait_dma2 semaphore(%arg21 : memref<!tpu.dma_semaphore, #tpu.memory_space<semaphore_mem>>) src(%dma_wait3A_36 : memref<2x9984xi32, #tpu.memory_space<hbm>>) dst(%arg8 : memref<2x9984xi32, #tpu.memory_space<vmem>>)
    %barrier3A = arith.constant 0 : index
    tpu.barrier barrier_id(%barrier3A)
    "tpu.region"() ({
      %run_scoped3A_57 = tpu.sem_alloc : memref<!tpu.dma_semaphore, #tpu.memory_space<semaphore_mem>>
      %dma_start3A_58 = arith.constant 0 : i32
      %dma_start3A_59 = tpu.memref_slice %arg6[%arg0, %dma_start3A_58] : memref<2x10240xf32, #tpu.memory_space<hbm>> -> memref<1x10240xf32, #tpu.memory_space<hbm>>
      %dma_start3A_60 = tpu.memref_squeeze %dma_start3A_59 : memref<1x10240xf32, #tpu.memory_space<hbm>> -> memref<10240xf32, #tpu.memory_space<hbm>>
      %dma_start3A_61 = arith.constant 0 : i32
      %dma_start3A_62 = tpu.memref_slice %arg6[%arg0, %dma_start3A_61] : memref<2x10240xf32, #tpu.memory_space<hbm>> -> memref<1x10240xf32, #tpu.memory_space<hbm>>
      %dma_start3A_63 = tpu.memref_squeeze %dma_start3A_62 : memref<1x10240xf32, #tpu.memory_space<hbm>> -> memref<10240xf32, #tpu.memory_space<hbm>>
      tpu.enqueue_dma source(%dma_start3A_63 : memref<10240xf32, #tpu.memory_space<hbm>>) target(%arg13 : memref<10240xf32, #tpu.memory_space<vmem>>) target_semaphore(%run_scoped3A_57 : memref<!tpu.dma_semaphore, #tpu.memory_space<semaphore_mem>>)
      %dma_wait3A_64 = arith.constant 0 : i32
      %dma_wait3A_65 = tpu.memref_slice %arg6[%arg0, %dma_wait3A_64] : memref<2x10240xf32, #tpu.memory_space<hbm>> -> memref<1x10240xf32, #tpu.memory_space<hbm>>
      %dma_wait3A_66 = tpu.memref_squeeze %dma_wait3A_65 : memref<1x10240xf32, #tpu.memory_space<hbm>> -> memref<10240xf32, #tpu.memory_space<hbm>>
      %dma_wait3A_67 = arith.constant 0 : i32
      %dma_wait3A_68 = tpu.memref_slice %arg6[%arg0, %dma_wait3A_67] : memref<2x10240xf32, #tpu.memory_space<hbm>> -> memref<1x10240xf32, #tpu.memory_space<hbm>>
      %dma_wait3A_69 = tpu.memref_squeeze %dma_wait3A_68 : memref<1x10240xf32, #tpu.memory_space<hbm>> -> memref<10240xf32, #tpu.memory_space<hbm>>
      tpu.wait_dma2 semaphore(%run_scoped3A_57 : memref<!tpu.dma_semaphore, #tpu.memory_space<semaphore_mem>>) src(%dma_wait3A_69 : memref<10240xf32, #tpu.memory_space<hbm>>) dst(%arg13 : memref<10240xf32, #tpu.memory_space<vmem>>)
      tpu.yield
    }) : () -> ()
    %scan3A_37 = arith.constant 0 : i32
    %scan3A_38 = arith.constant 632 : i32
    %scan3A_39 = arith.addi %scan3A_37, %scan3A_38 : i32
    %scan3A_40 = arith.constant 8 : i32
    scf.for %scan3A_57 = %scan3A_37 to %scan3A_39 step %scan3A_40  : i32 {
      %mul3A_58 = arith.constant 1 : i32
      %mul3A_59 = arith.muli %scan3A_57, %mul3A_58 : i32
      %add3A_60 = arith.constant 0 : i32
      %add3A_61 = arith.addi %add3A_60, %mul3A_59 : i32
      %mul3A_62 = arith.constant 16 : i32
      %mul3A_63 = arith.muli %add3A_61, %mul3A_62 : i32
      %get3A = arith.constant 0 : i32
      %get3A_64 = arith.index_cast %get3A : i32 to index
      %get3A_65 = arith.index_cast %mul3A_63 : i32 to index
      %get3A_66 = tpu.vector_load %arg7[%get3A_64, %get3A_65] {strides = array<i32>} : memref<2x10112xi32, #tpu.memory_space<vmem>>, vector<16xi32>,
      %gather3A = tpu.vector_load_idx %arg13[%get3A_66] : memref<10240xf32, #tpu.memory_space<vmem>>[vector<16xi32>], vector<16xf32>,
      %swap3A = arith.index_cast %mul3A_63 : i32 to index
      %swap3A_67 = tpu.vector_load %arg11[%swap3A] {strides = array<i32>} : memref<10112xf32, #tpu.memory_space<vmem>>, vector<16xf32>,
      tpu.vector_store %arg11[%swap3A], %gather3A {strides = array<i32>} : memref<10112xf32, #tpu.memory_space<vmem>>, vector<16xf32>,
      %get3A_68 = arith.constant 1 : i32
      %get3A_69 = arith.index_cast %get3A_68 : i32 to index
      %get3A_70 = arith.index_cast %mul3A_63 : i32 to index
      %get3A_71 = tpu.vector_load %arg7[%get3A_69, %get3A_70] {strides = array<i32>} : memref<2x10112xi32, #tpu.memory_space<vmem>>, vector<16xi32>,
      %swap3A_72 = arith.index_cast %mul3A_63 : i32 to index
      %swap3A_73 = tpu.vector_load %arg9[%swap3A_72] {strides = array<i32>} : memref<10112xi32, #tpu.memory_space<vmem>>, vector<16xi32>,
      tpu.vector_store %arg9[%swap3A_72], %get3A_71 {strides = array<i32>} : memref<10112xi32, #tpu.memory_space<vmem>>, vector<16xi32>,
      %scan3A_74 = arith.constant 1 : i32
      %scan3A_75 = arith.addi %scan3A_57, %scan3A_74 : i32
      %mul3A_76 = arith.constant 1 : i32
      %mul3A_77 = arith.muli %scan3A_75, %mul3A_76 : i32
      %add3A_78 = arith.constant 0 : i32
      %add3A_79 = arith.addi %add3A_78, %mul3A_77 : i32
      %mul3A_80 = arith.constant 16 : i32
      %mul3A_81 = arith.muli %add3A_79, %mul3A_80 : i32
      %get3A_82 = arith.constant 0 : i32
      %get3A_83 = arith.index_cast %get3A_82 : i32 to index
      %get3A_84 = arith.index_cast %mul3A_81 : i32 to index
      %get3A_85 = tpu.vector_load %arg7[%get3A_83, %get3A_84] {strides = array<i32>} : memref<2x10112xi32, #tpu.memory_space<vmem>>, vector<16xi32>,
      %gather3A_86 = tpu.vector_load_idx %arg13[%get3A_85] : memref<10240xf32, #tpu.memory_space<vmem>>[vector<16xi32>], vector<16xf32>,
      %swap3A_87 = arith.index_cast %mul3A_81 : i32 to index
      %swap3A_88 = tpu.vector_load %arg11[%swap3A_87] {strides = array<i32>} : memref<10112xf32, #tpu.memory_space<vmem>>, vector<16xf32>,
      tpu.vector_store %arg11[%swap3A_87], %gather3A_86 {strides = array<i32>} : memref<10112xf32, #tpu.memory_space<vmem>>, vector<16xf32>,
      %get3A_89 = arith.constant 1 : i32
      %get3A_90 = arith.index_cast %get3A_89 : i32 to index
      %get3A_91 = arith.index_cast %mul3A_81 : i32 to index
      %get3A_92 = tpu.vector_load %arg7[%get3A_90, %get3A_91] {strides = array<i32>} : memref<2x10112xi32, #tpu.memory_space<vmem>>, vector<16xi32>,
      %swap3A_93 = arith.index_cast %mul3A_81 : i32 to index
      %swap3A_94 = tpu.vector_load %arg9[%swap3A_93] {strides = array<i32>} : memref<10112xi32, #tpu.memory_space<vmem>>, vector<16xi32>,
      tpu.vector_store %arg9[%swap3A_93], %get3A_92 {strides = array<i32>} : memref<10112xi32, #tpu.memory_space<vmem>>, vector<16xi32>,
      %scan3A_95 = arith.constant 2 : i32
      %scan3A_96 = arith.addi %scan3A_57, %scan3A_95 : i32
      %mul3A_97 = arith.constant 1 : i32
      %mul3A_98 = arith.muli %scan3A_96, %mul3A_97 : i32
      %add3A_99 = arith.constant 0 : i32
      %add3A_100 = arith.addi %add3A_99, %mul3A_98 : i32
      %mul3A_101 = arith.constant 16 : i32
      %mul3A_102 = arith.muli %add3A_100, %mul3A_101 : i32
      %get3A_103 = arith.constant 0 : i32
      %get3A_104 = arith.index_cast %get3A_103 : i32 to index
      %get3A_105 = arith.index_cast %mul3A_102 : i32 to index
      %get3A_106 = tpu.vector_load %arg7[%get3A_104, %get3A_105] {strides = array<i32>} : memref<2x10112xi32, #tpu.memory_space<vmem>>, vector<16xi32>,
      %gather3A_107 = tpu.vector_load_idx %arg13[%get3A_106] : memref<10240xf32, #tpu.memory_space<vmem>>[vector<16xi32>], vector<16xf32>,
      %swap3A_108 = arith.index_cast %mul3A_102 : i32 to index
      %swap3A_109 = tpu.vector_load %arg11[%swap3A_108] {strides = array<i32>} : memref<10112xf32, #tpu.memory_space<vmem>>, vector<16xf32>,
      tpu.vector_store %arg11[%swap3A_108], %gather3A_107 {strides = array<i32>} : memref<10112xf32, #tpu.memory_space<vmem>>, vector<16xf32>,
      %get3A_110 = arith.constant 1 : i32
      %get3A_111 = arith.index_cast %get3A_110 : i32 to index
      %get3A_112 = arith.index_cast %mul3A_102 : i32 to index
      %get3A_113 = tpu.vector_load %arg7[%get3A_111, %get3A_112] {strides = array<i32>} : memref<2x10112xi32, #tpu.memory_space<vmem>>, vector<16xi32>,
      %swap3A_114 = arith.index_cast %mul3A_102 : i32 to index
      %swap3A_115 = tpu.vector_load %arg9[%swap3A_114] {strides = array<i32>} : memref<10112xi32, #tpu.memory_space<vmem>>, vector<16xi32>,
      tpu.vector_store %arg9[%swap3A_114], %get3A_113 {strides = array<i32>} : memref<10112xi32, #tpu.memory_space<vmem>>, vector<16xi32>,
      %scan3A_116 = arith.constant 3 : i32
      %scan3A_117 = arith.addi %scan3A_57, %scan3A_116 : i32
      %mul3A_118 = arith.constant 1 : i32
      %mul3A_119 = arith.muli %scan3A_117, %mul3A_118 : i32
      %add3A_120 = arith.constant 0 : i32
      %add3A_121 = arith.addi %add3A_120, %mul3A_119 : i32
      %mul3A_122 = arith.constant 16 : i32
      %mul3A_123 = arith.muli %add3A_121, %mul3A_122 : i32
      %get3A_124 = arith.constant 0 : i32
      %get3A_125 = arith.index_cast %get3A_124 : i32 to index
      %get3A_126 = arith.index_cast %mul3A_123 : i32 to index
      %get3A_127 = tpu.vector_load %arg7[%get3A_125, %get3A_126] {strides = array<i32>} : memref<2x10112xi32, #tpu.memory_space<vmem>>, vector<16xi32>,
      %gather3A_128 = tpu.vector_load_idx %arg13[%get3A_127] : memref<10240xf32, #tpu.memory_space<vmem>>[vector<16xi32>], vector<16xf32>,
      %swap3A_129 = arith.index_cast %mul3A_123 : i32 to index
      %swap3A_130 = tpu.vector_load %arg11[%swap3A_129] {strides = array<i32>} : memref<10112xf32, #tpu.memory_space<vmem>>, vector<16xf32>,
      tpu.vector_store %arg11[%swap3A_129], %gather3A_128 {strides = array<i32>} : memref<10112xf32, #tpu.memory_space<vmem>>, vector<16xf32>,
      %get3A_131 = arith.constant 1 : i32
      %get3A_132 = arith.index_cast %get3A_131 : i32 to index
      %get3A_133 = arith.index_cast %mul3A_123 : i32 to index
      %get3A_134 = tpu.vector_load %arg7[%get3A_132, %get3A_133] {strides = array<i32>} : memref<2x10112xi32, #tpu.memory_space<vmem>>, vector<16xi32>,
      %swap3A_135 = arith.index_cast %mul3A_123 : i32 to index
      %swap3A_136 = tpu.vector_load %arg9[%swap3A_135] {strides = array<i32>} : memref<10112xi32, #tpu.memory_space<vmem>>, vector<16xi32>,
      tpu.vector_store %arg9[%swap3A_135], %get3A_134 {strides = array<i32>} : memref<10112xi32, #tpu.memory_space<vmem>>, vector<16xi32>,
      %scan3A_137 = arith.constant 4 : i32
      %scan3A_138 = arith.addi %scan3A_57, %scan3A_137 : i32
      %mul3A_139 = arith.constant 1 : i32
      %mul3A_140 = arith.muli %scan3A_138, %mul3A_139 : i32
      %add3A_141 = arith.constant 0 : i32
      %add3A_142 = arith.addi %add3A_141, %mul3A_140 : i32
      %mul3A_143 = arith.constant 16 : i32
      %mul3A_144 = arith.muli %add3A_142, %mul3A_143 : i32
      %get3A_145 = arith.constant 0 : i32
      %get3A_146 = arith.index_cast %get3A_145 : i32 to index
      %get3A_147 = arith.index_cast %mul3A_144 : i32 to index
      %get3A_148 = tpu.vector_load %arg7[%get3A_146, %get3A_147] {strides = array<i32>} : memref<2x10112xi32, #tpu.memory_space<vmem>>, vector<16xi32>,
      %gather3A_149 = tpu.vector_load_idx %arg13[%get3A_148] : memref<10240xf32, #tpu.memory_space<vmem>>[vector<16xi32>], vector<16xf32>,
      %swap3A_150 = arith.index_cast %mul3A_144 : i32 to index
      %swap3A_151 = tpu.vector_load %arg11[%swap3A_150] {strides = array<i32>} : memref<10112xf32, #tpu.memory_space<vmem>>, vector<16xf32>,
      tpu.vector_store %arg11[%swap3A_150], %gather3A_149 {strides = array<i32>} : memref<10112xf32, #tpu.memory_space<vmem>>, vector<16xf32>,
      %get3A_152 = arith.constant 1 : i32
      %get3A_153 = arith.index_cast %get3A_152 : i32 to index
      %get3A_154 = arith.index_cast %mul3A_144 : i32 to index
      %get3A_155 = tpu.vector_load %arg7[%get3A_153, %get3A_154] {strides = array<i32>} : memref<2x10112xi32, #tpu.memory_space<vmem>>, vector<16xi32>,
      %swap3A_156 = arith.index_cast %mul3A_144 : i32 to index
      %swap3A_157 = tpu.vector_load %arg9[%swap3A_156] {strides = array<i32>} : memref<10112xi32, #tpu.memory_space<vmem>>, vector<16xi32>,
      tpu.vector_store %arg9[%swap3A_156], %get3A_155 {strides = array<i32>} : memref<10112xi32, #tpu.memory_space<vmem>>, vector<16xi32>,
      %scan3A_158 = arith.constant 5 : i32
      %scan3A_159 = arith.addi %scan3A_57, %scan3A_158 : i32
      %mul3A_160 = arith.constant 1 : i32
      %mul3A_161 = arith.muli %scan3A_159, %mul3A_160 : i32
      %add3A_162 = arith.constant 0 : i32
      %add3A_163 = arith.addi %add3A_162, %mul3A_161 : i32
      %mul3A_164 = arith.constant 16 : i32
      %mul3A_165 = arith.muli %add3A_163, %mul3A_164 : i32
      %get3A_166 = arith.constant 0 : i32
      %get3A_167 = arith.index_cast %get3A_166 : i32 to index
      %get3A_168 = arith.index_cast %mul3A_165 : i32 to index
      %get3A_169 = tpu.vector_load %arg7[%get3A_167, %get3A_168] {strides = array<i32>} : memref<2x10112xi32, #tpu.memory_space<vmem>>, vector<16xi32>,
      %gather3A_170 = tpu.vector_load_idx %arg13[%get3A_169] : memref<10240xf32, #tpu.memory_space<vmem>>[vector<16xi32>], vector<16xf32>,
      %swap3A_171 = arith.index_cast %mul3A_165 : i32 to index
      %swap3A_172 = tpu.vector_load %arg11[%swap3A_171] {strides = array<i32>} : memref<10112xf32, #tpu.memory_space<vmem>>, vector<16xf32>,
      tpu.vector_store %arg11[%swap3A_171], %gather3A_170 {strides = array<i32>} : memref<10112xf32, #tpu.memory_space<vmem>>, vector<16xf32>,
      %get3A_173 = arith.constant 1 : i32
      %get3A_174 = arith.index_cast %get3A_173 : i32 to index
      %get3A_175 = arith.index_cast %mul3A_165 : i32 to index
      %get3A_176 = tpu.vector_load %arg7[%get3A_174, %get3A_175] {strides = array<i32>} : memref<2x10112xi32, #tpu.memory_space<vmem>>, vector<16xi32>,
      %swap3A_177 = arith.index_cast %mul3A_165 : i32 to index
      %swap3A_178 = tpu.vector_load %arg9[%swap3A_177] {strides = array<i32>} : memref<10112xi32, #tpu.memory_space<vmem>>, vector<16xi32>,
      tpu.vector_store %arg9[%swap3A_177], %get3A_176 {strides = array<i32>} : memref<10112xi32, #tpu.memory_space<vmem>>, vector<16xi32>,
      %scan3A_179 = arith.constant 6 : i32
      %scan3A_180 = arith.addi %scan3A_57, %scan3A_179 : i32
      %mul3A_181 = arith.constant 1 : i32
      %mul3A_182 = arith.muli %scan3A_180, %mul3A_181 : i32
      %add3A_183 = arith.constant 0 : i32
      %add3A_184 = arith.addi %add3A_183, %mul3A_182 : i32
      %mul3A_185 = arith.constant 16 : i32
      %mul3A_186 = arith.muli %add3A_184, %mul3A_185 : i32
      %get3A_187 = arith.constant 0 : i32
      %get3A_188 = arith.index_cast %get3A_187 : i32 to index
      %get3A_189 = arith.index_cast %mul3A_186 : i32 to index
      %get3A_190 = tpu.vector_load %arg7[%get3A_188, %get3A_189] {strides = array<i32>} : memref<2x10112xi32, #tpu.memory_space<vmem>>, vector<16xi32>,
      %gather3A_191 = tpu.vector_load_idx %arg13[%get3A_190] : memref<10240xf32, #tpu.memory_space<vmem>>[vector<16xi32>], vector<16xf32>,
      %swap3A_192 = arith.index_cast %mul3A_186 : i32 to index
      %swap3A_193 = tpu.vector_load %arg11[%swap3A_192] {strides = array<i32>} : memref<10112xf32, #tpu.memory_space<vmem>>, vector<16xf32>,
      tpu.vector_store %arg11[%swap3A_192], %gather3A_191 {strides = array<i32>} : memref<10112xf32, #tpu.memory_space<vmem>>, vector<16xf32>,
      %get3A_194 = arith.constant 1 : i32
      %get3A_195 = arith.index_cast %get3A_194 : i32 to index
      %get3A_196 = arith.index_cast %mul3A_186 : i32 to index
      %get3A_197 = tpu.vector_load %arg7[%get3A_195, %get3A_196] {strides = array<i32>} : memref<2x10112xi32, #tpu.memory_space<vmem>>, vector<16xi32>,
      %swap3A_198 = arith.index_cast %mul3A_186 : i32 to index
      %swap3A_199 = tpu.vector_load %arg9[%swap3A_198] {strides = array<i32>} : memref<10112xi32, #tpu.memory_space<vmem>>, vector<16xi32>,
      tpu.vector_store %arg9[%swap3A_198], %get3A_197 {strides = array<i32>} : memref<10112xi32, #tpu.memory_space<vmem>>, vector<16xi32>,
      %scan3A_200 = arith.constant 7 : i32
      %scan3A_201 = arith.addi %scan3A_57, %scan3A_200 : i32
      %mul3A_202 = arith.constant 1 : i32
      %mul3A_203 = arith.muli %scan3A_201, %mul3A_202 : i32
      %add3A_204 = arith.constant 0 : i32
      %add3A_205 = arith.addi %add3A_204, %mul3A_203 : i32
      %mul3A_206 = arith.constant 16 : i32
      %mul3A_207 = arith.muli %add3A_205, %mul3A_206 : i32
      %get3A_208 = arith.constant 0 : i32
      %get3A_209 = arith.index_cast %get3A_208 : i32 to index
      %get3A_210 = arith.index_cast %mul3A_207 : i32 to index
      %get3A_211 = tpu.vector_load %arg7[%get3A_209, %get3A_210] {strides = array<i32>} : memref<2x10112xi32, #tpu.memory_space<vmem>>, vector<16xi32>,
      %gather3A_212 = tpu.vector_load_idx %arg13[%get3A_211] : memref<10240xf32, #tpu.memory_space<vmem>>[vector<16xi32>], vector<16xf32>,
      %swap3A_213 = arith.index_cast %mul3A_207 : i32 to index
      %swap3A_214 = tpu.vector_load %arg11[%swap3A_213] {strides = array<i32>} : memref<10112xf32, #tpu.memory_space<vmem>>, vector<16xf32>,
      tpu.vector_store %arg11[%swap3A_213], %gather3A_212 {strides = array<i32>} : memref<10112xf32, #tpu.memory_space<vmem>>, vector<16xf32>,
      %get3A_215 = arith.constant 1 : i32
      %get3A_216 = arith.index_cast %get3A_215 : i32 to index
      %get3A_217 = arith.index_cast %mul3A_207 : i32 to index
      %get3A_218 = tpu.vector_load %arg7[%get3A_216, %get3A_217] {strides = array<i32>} : memref<2x10112xi32, #tpu.memory_space<vmem>>, vector<16xi32>,
      %swap3A_219 = arith.index_cast %mul3A_207 : i32 to index
      %swap3A_220 = tpu.vector_load %arg9[%swap3A_219] {strides = array<i32>} : memref<10112xi32, #tpu.memory_space<vmem>>, vector<16xi32>,
      tpu.vector_store %arg9[%swap3A_219], %get3A_218 {strides = array<i32>} : memref<10112xi32, #tpu.memory_space<vmem>>, vector<16xi32>,
    }
    %scan3A_41 = arith.constant 632 : i32
    %dma_start3A_42 = arith.constant 0 : i32
    %dma_start3A_43 = tpu.memref_slice %arg19[%dma_start3A_42] : memref<10240xf32, #tpu.memory_space<vmem_shared>> -> memref<10240xf32, #tpu.memory_space<vmem_shared>>
    tpu.enqueue_indirect_dma source(%arg11 : memref<10112xf32, #tpu.memory_space<vmem>>) target(%dma_start3A_43 : memref<10240xf32, #tpu.memory_space<vmem_shared>>) offsets(%arg9 : memref<10112xi32, #tpu.memory_space<vmem>>) semaphore(%arg20 : memref<!tpu.dma_semaphore, #tpu.memory_space<semaphore_mem>>) {add = true}
    %scan3A_44 = arith.constant 0 : i32
    %scan3A_45 = arith.constant 624 : i32
    %scan3A_46 = arith.addi %scan3A_44, %scan3A_45 : i32
    %scan3A_47 = arith.constant 8 : i32
    scf.for %scan3A_57 = %scan3A_44 to %scan3A_46 step %scan3A_47  : i32 {
      %mul3A_58 = arith.constant 1 : i32
      %mul3A_59 = arith.muli %scan3A_57, %mul3A_58 : i32
      %add3A_60 = arith.constant 0 : i32
      %add3A_61 = arith.addi %add3A_60, %mul3A_59 : i32
      %mul3A_62 = arith.constant 16 : i32
      %mul3A_63 = arith.muli %add3A_61, %mul3A_62 : i32
      %get3A = arith.constant 0 : i32
      %get3A_64 = arith.index_cast %get3A : i32 to index
      %get3A_65 = arith.index_cast %mul3A_63 : i32 to index
      %get3A_66 = tpu.vector_load %arg8[%get3A_64, %get3A_65] {strides = array<i32>} : memref<2x9984xi32, #tpu.memory_space<vmem>>, vector<16xi32>,
      %gather3A = tpu.vector_load_idx %arg13[%get3A_66] : memref<10240xf32, #tpu.memory_space<vmem>>[vector<16xi32>], vector<16xf32>,
      %swap3A = arith.index_cast %mul3A_63 : i32 to index
      %swap3A_67 = tpu.vector_load %arg12[%swap3A] {strides = array<i32>} : memref<9984xf32, #tpu.memory_space<vmem>>, vector<16xf32>,
      tpu.vector_store %arg12[%swap3A], %gather3A {strides = array<i32>} : memref<9984xf32, #tpu.memory_space<vmem>>, vector<16xf32>,
      %get3A_68 = arith.constant 1 : i32
      %get3A_69 = arith.index_cast %get3A_68 : i32 to index
      %get3A_70 = arith.index_cast %mul3A_63 : i32 to index
      %get3A_71 = tpu.vector_load %arg8[%get3A_69, %get3A_70] {strides = array<i32>} : memref<2x9984xi32, #tpu.memory_space<vmem>>, vector<16xi32>,
      %swap3A_72 = arith.index_cast %mul3A_63 : i32 to index
      %swap3A_73 = tpu.vector_load %arg10[%swap3A_72] {strides = array<i32>} : memref<9984xi32, #tpu.memory_space<vmem>>, vector<16xi32>,
      tpu.vector_store %arg10[%swap3A_72], %get3A_71 {strides = array<i32>} : memref<9984xi32, #tpu.memory_space<vmem>>, vector<16xi32>,
      %scan3A_74 = arith.constant 1 : i32
      %scan3A_75 = arith.addi %scan3A_57, %scan3A_74 : i32
      %mul3A_76 = arith.constant 1 : i32
      %mul3A_77 = arith.muli %scan3A_75, %mul3A_76 : i32
      %add3A_78 = arith.constant 0 : i32
      %add3A_79 = arith.addi %add3A_78, %mul3A_77 : i32
      %mul3A_80 = arith.constant 16 : i32
      %mul3A_81 = arith.muli %add3A_79, %mul3A_80 : i32
      %get3A_82 = arith.constant 0 : i32
      %get3A_83 = arith.index_cast %get3A_82 : i32 to index
      %get3A_84 = arith.index_cast %mul3A_81 : i32 to index
      %get3A_85 = tpu.vector_load %arg8[%get3A_83, %get3A_84] {strides = array<i32>} : memref<2x9984xi32, #tpu.memory_space<vmem>>, vector<16xi32>,
      %gather3A_86 = tpu.vector_load_idx %arg13[%get3A_85] : memref<10240xf32, #tpu.memory_space<vmem>>[vector<16xi32>], vector<16xf32>,
      %swap3A_87 = arith.index_cast %mul3A_81 : i32 to index
      %swap3A_88 = tpu.vector_load %arg12[%swap3A_87] {strides = array<i32>} : memref<9984xf32, #tpu.memory_space<vmem>>, vector<16xf32>,
      tpu.vector_store %arg12[%swap3A_87], %gather3A_86 {strides = array<i32>} : memref<9984xf32, #tpu.memory_space<vmem>>, vector<16xf32>,
      %get3A_89 = arith.constant 1 : i32
      %get3A_90 = arith.index_cast %get3A_89 : i32 to index
      %get3A_91 = arith.index_cast %mul3A_81 : i32 to index
      %get3A_92 = tpu.vector_load %arg8[%get3A_90, %get3A_91] {strides = array<i32>} : memref<2x9984xi32, #tpu.memory_space<vmem>>, vector<16xi32>,
      %swap3A_93 = arith.index_cast %mul3A_81 : i32 to index
      %swap3A_94 = tpu.vector_load %arg10[%swap3A_93] {strides = array<i32>} : memref<9984xi32, #tpu.memory_space<vmem>>, vector<16xi32>,
      tpu.vector_store %arg10[%swap3A_93], %get3A_92 {strides = array<i32>} : memref<9984xi32, #tpu.memory_space<vmem>>, vector<16xi32>,
      %scan3A_95 = arith.constant 2 : i32
      %scan3A_96 = arith.addi %scan3A_57, %scan3A_95 : i32
      %mul3A_97 = arith.constant 1 : i32
      %mul3A_98 = arith.muli %scan3A_96, %mul3A_97 : i32
      %add3A_99 = arith.constant 0 : i32
      %add3A_100 = arith.addi %add3A_99, %mul3A_98 : i32
      %mul3A_101 = arith.constant 16 : i32
      %mul3A_102 = arith.muli %add3A_100, %mul3A_101 : i32
      %get3A_103 = arith.constant 0 : i32
      %get3A_104 = arith.index_cast %get3A_103 : i32 to index
      %get3A_105 = arith.index_cast %mul3A_102 : i32 to index
      %get3A_106 = tpu.vector_load %arg8[%get3A_104, %get3A_105] {strides = array<i32>} : memref<2x9984xi32, #tpu.memory_space<vmem>>, vector<16xi32>,
      %gather3A_107 = tpu.vector_load_idx %arg13[%get3A_106] : memref<10240xf32, #tpu.memory_space<vmem>>[vector<16xi32>], vector<16xf32>,
      %swap3A_108 = arith.index_cast %mul3A_102 : i32 to index
      %swap3A_109 = tpu.vector_load %arg12[%swap3A_108] {strides = array<i32>} : memref<9984xf32, #tpu.memory_space<vmem>>, vector<16xf32>,
      tpu.vector_store %arg12[%swap3A_108], %gather3A_107 {strides = array<i32>} : memref<9984xf32, #tpu.memory_space<vmem>>, vector<16xf32>,
      %get3A_110 = arith.constant 1 : i32
      %get3A_111 = arith.index_cast %get3A_110 : i32 to index
      %get3A_112 = arith.index_cast %mul3A_102 : i32 to index
      %get3A_113 = tpu.vector_load %arg8[%get3A_111, %get3A_112] {strides = array<i32>} : memref<2x9984xi32, #tpu.memory_space<vmem>>, vector<16xi32>,
      %swap3A_114 = arith.index_cast %mul3A_102 : i32 to index
      %swap3A_115 = tpu.vector_load %arg10[%swap3A_114] {strides = array<i32>} : memref<9984xi32, #tpu.memory_space<vmem>>, vector<16xi32>,
      tpu.vector_store %arg10[%swap3A_114], %get3A_113 {strides = array<i32>} : memref<9984xi32, #tpu.memory_space<vmem>>, vector<16xi32>,
      %scan3A_116 = arith.constant 3 : i32
      %scan3A_117 = arith.addi %scan3A_57, %scan3A_116 : i32
      %mul3A_118 = arith.constant 1 : i32
      %mul3A_119 = arith.muli %scan3A_117, %mul3A_118 : i32
      %add3A_120 = arith.constant 0 : i32
      %add3A_121 = arith.addi %add3A_120, %mul3A_119 : i32
      %mul3A_122 = arith.constant 16 : i32
      %mul3A_123 = arith.muli %add3A_121, %mul3A_122 : i32
      %get3A_124 = arith.constant 0 : i32
      %get3A_125 = arith.index_cast %get3A_124 : i32 to index
      %get3A_126 = arith.index_cast %mul3A_123 : i32 to index
      %get3A_127 = tpu.vector_load %arg8[%get3A_125, %get3A_126] {strides = array<i32>} : memref<2x9984xi32, #tpu.memory_space<vmem>>, vector<16xi32>,
      %gather3A_128 = tpu.vector_load_idx %arg13[%get3A_127] : memref<10240xf32, #tpu.memory_space<vmem>>[vector<16xi32>], vector<16xf32>,
      %swap3A_129 = arith.index_cast %mul3A_123 : i32 to index
      %swap3A_130 = tpu.vector_load %arg12[%swap3A_129] {strides = array<i32>} : memref<9984xf32, #tpu.memory_space<vmem>>, vector<16xf32>,
      tpu.vector_store %arg12[%swap3A_129], %gather3A_128 {strides = array<i32>} : memref<9984xf32, #tpu.memory_space<vmem>>, vector<16xf32>,
      %get3A_131 = arith.constant 1 : i32
      %get3A_132 = arith.index_cast %get3A_131 : i32 to index
      %get3A_133 = arith.index_cast %mul3A_123 : i32 to index
      %get3A_134 = tpu.vector_load %arg8[%get3A_132, %get3A_133] {strides = array<i32>} : memref<2x9984xi32, #tpu.memory_space<vmem>>, vector<16xi32>,
      %swap3A_135 = arith.index_cast %mul3A_123 : i32 to index
      %swap3A_136 = tpu.vector_load %arg10[%swap3A_135] {strides = array<i32>} : memref<9984xi32, #tpu.memory_space<vmem>>, vector<16xi32>,
      tpu.vector_store %arg10[%swap3A_135], %get3A_134 {strides = array<i32>} : memref<9984xi32, #tpu.memory_space<vmem>>, vector<16xi32>,
      %scan3A_137 = arith.constant 4 : i32
      %scan3A_138 = arith.addi %scan3A_57, %scan3A_137 : i32
      %mul3A_139 = arith.constant 1 : i32
      %mul3A_140 = arith.muli %scan3A_138, %mul3A_139 : i32
      %add3A_141 = arith.constant 0 : i32
      %add3A_142 = arith.addi %add3A_141, %mul3A_140 : i32
      %mul3A_143 = arith.constant 16 : i32
      %mul3A_144 = arith.muli %add3A_142, %mul3A_143 : i32
      %get3A_145 = arith.constant 0 : i32
      %get3A_146 = arith.index_cast %get3A_145 : i32 to index
      %get3A_147 = arith.index_cast %mul3A_144 : i32 to index
      %get3A_148 = tpu.vector_load %arg8[%get3A_146, %get3A_147] {strides = array<i32>} : memref<2x9984xi32, #tpu.memory_space<vmem>>, vector<16xi32>,
      %gather3A_149 = tpu.vector_load_idx %arg13[%get3A_148] : memref<10240xf32, #tpu.memory_space<vmem>>[vector<16xi32>], vector<16xf32>,
      %swap3A_150 = arith.index_cast %mul3A_144 : i32 to index
      %swap3A_151 = tpu.vector_load %arg12[%swap3A_150] {strides = array<i32>} : memref<9984xf32, #tpu.memory_space<vmem>>, vector<16xf32>,
      tpu.vector_store %arg12[%swap3A_150], %gather3A_149 {strides = array<i32>} : memref<9984xf32, #tpu.memory_space<vmem>>, vector<16xf32>,
      %get3A_152 = arith.constant 1 : i32
      %get3A_153 = arith.index_cast %get3A_152 : i32 to index
      %get3A_154 = arith.index_cast %mul3A_144 : i32 to index
      %get3A_155 = tpu.vector_load %arg8[%get3A_153, %get3A_154] {strides = array<i32>} : memref<2x9984xi32, #tpu.memory_space<vmem>>, vector<16xi32>,
      %swap3A_156 = arith.index_cast %mul3A_144 : i32 to index
      %swap3A_157 = tpu.vector_load %arg10[%swap3A_156] {strides = array<i32>} : memref<9984xi32, #tpu.memory_space<vmem>>, vector<16xi32>,
      tpu.vector_store %arg10[%swap3A_156], %get3A_155 {strides = array<i32>} : memref<9984xi32, #tpu.memory_space<vmem>>, vector<16xi32>,
      %scan3A_158 = arith.constant 5 : i32
      %scan3A_159 = arith.addi %scan3A_57, %scan3A_158 : i32
      %mul3A_160 = arith.constant 1 : i32
      %mul3A_161 = arith.muli %scan3A_159, %mul3A_160 : i32
      %add3A_162 = arith.constant 0 : i32
      %add3A_163 = arith.addi %add3A_162, %mul3A_161 : i32
      %mul3A_164 = arith.constant 16 : i32
      %mul3A_165 = arith.muli %add3A_163, %mul3A_164 : i32
      %get3A_166 = arith.constant 0 : i32
      %get3A_167 = arith.index_cast %get3A_166 : i32 to index
      %get3A_168 = arith.index_cast %mul3A_165 : i32 to index
      %get3A_169 = tpu.vector_load %arg8[%get3A_167, %get3A_168] {strides = array<i32>} : memref<2x9984xi32, #tpu.memory_space<vmem>>, vector<16xi32>,
      %gather3A_170 = tpu.vector_load_idx %arg13[%get3A_169] : memref<10240xf32, #tpu.memory_space<vmem>>[vector<16xi32>], vector<16xf32>,
      %swap3A_171 = arith.index_cast %mul3A_165 : i32 to index
      %swap3A_172 = tpu.vector_load %arg12[%swap3A_171] {strides = array<i32>} : memref<9984xf32, #tpu.memory_space<vmem>>, vector<16xf32>,
      tpu.vector_store %arg12[%swap3A_171], %gather3A_170 {strides = array<i32>} : memref<9984xf32, #tpu.memory_space<vmem>>, vector<16xf32>,
      %get3A_173 = arith.constant 1 : i32
      %get3A_174 = arith.index_cast %get3A_173 : i32 to index
      %get3A_175 = arith.index_cast %mul3A_165 : i32 to index
      %get3A_176 = tpu.vector_load %arg8[%get3A_174, %get3A_175] {strides = array<i32>} : memref<2x9984xi32, #tpu.memory_space<vmem>>, vector<16xi32>,
      %swap3A_177 = arith.index_cast %mul3A_165 : i32 to index
      %swap3A_178 = tpu.vector_load %arg10[%swap3A_177] {strides = array<i32>} : memref<9984xi32, #tpu.memory_space<vmem>>, vector<16xi32>,
      tpu.vector_store %arg10[%swap3A_177], %get3A_176 {strides = array<i32>} : memref<9984xi32, #tpu.memory_space<vmem>>, vector<16xi32>,
      %scan3A_179 = arith.constant 6 : i32
      %scan3A_180 = arith.addi %scan3A_57, %scan3A_179 : i32
      %mul3A_181 = arith.constant 1 : i32
      %mul3A_182 = arith.muli %scan3A_180, %mul3A_181 : i32
      %add3A_183 = arith.constant 0 : i32
      %add3A_184 = arith.addi %add3A_183, %mul3A_182 : i32
      %mul3A_185 = arith.constant 16 : i32
      %mul3A_186 = arith.muli %add3A_184, %mul3A_185 : i32
      %get3A_187 = arith.constant 0 : i32
      %get3A_188 = arith.index_cast %get3A_187 : i32 to index
      %get3A_189 = arith.index_cast %mul3A_186 : i32 to index
      %get3A_190 = tpu.vector_load %arg8[%get3A_188, %get3A_189] {strides = array<i32>} : memref<2x9984xi32, #tpu.memory_space<vmem>>, vector<16xi32>,
      %gather3A_191 = tpu.vector_load_idx %arg13[%get3A_190] : memref<10240xf32, #tpu.memory_space<vmem>>[vector<16xi32>], vector<16xf32>,
      %swap3A_192 = arith.index_cast %mul3A_186 : i32 to index
      %swap3A_193 = tpu.vector_load %arg12[%swap3A_192] {strides = array<i32>} : memref<9984xf32, #tpu.memory_space<vmem>>, vector<16xf32>,
      tpu.vector_store %arg12[%swap3A_192], %gather3A_191 {strides = array<i32>} : memref<9984xf32, #tpu.memory_space<vmem>>, vector<16xf32>,
      %get3A_194 = arith.constant 1 : i32
      %get3A_195 = arith.index_cast %get3A_194 : i32 to index
      %get3A_196 = arith.index_cast %mul3A_186 : i32 to index
      %get3A_197 = tpu.vector_load %arg8[%get3A_195, %get3A_196] {strides = array<i32>} : memref<2x9984xi32, #tpu.memory_space<vmem>>, vector<16xi32>,
      %swap3A_198 = arith.index_cast %mul3A_186 : i32 to index
      %swap3A_199 = tpu.vector_load %arg10[%swap3A_198] {strides = array<i32>} : memref<9984xi32, #tpu.memory_space<vmem>>, vector<16xi32>,
      tpu.vector_store %arg10[%swap3A_198], %get3A_197 {strides = array<i32>} : memref<9984xi32, #tpu.memory_space<vmem>>, vector<16xi32>,
      %scan3A_200 = arith.constant 7 : i32
      %scan3A_201 = arith.addi %scan3A_57, %scan3A_200 : i32
      %mul3A_202 = arith.constant 1 : i32
      %mul3A_203 = arith.muli %scan3A_201, %mul3A_202 : i32
      %add3A_204 = arith.constant 0 : i32
      %add3A_205 = arith.addi %add3A_204, %mul3A_203 : i32
      %mul3A_206 = arith.constant 16 : i32
      %mul3A_207 = arith.muli %add3A_205, %mul3A_206 : i32
      %get3A_208 = arith.constant 0 : i32
      %get3A_209 = arith.index_cast %get3A_208 : i32 to index
      %get3A_210 = arith.index_cast %mul3A_207 : i32 to index
      %get3A_211 = tpu.vector_load %arg8[%get3A_209, %get3A_210] {strides = array<i32>} : memref<2x9984xi32, #tpu.memory_space<vmem>>, vector<16xi32>,
      %gather3A_212 = tpu.vector_load_idx %arg13[%get3A_211] : memref<10240xf32, #tpu.memory_space<vmem>>[vector<16xi32>], vector<16xf32>,
      %swap3A_213 = arith.index_cast %mul3A_207 : i32 to index
      %swap3A_214 = tpu.vector_load %arg12[%swap3A_213] {strides = array<i32>} : memref<9984xf32, #tpu.memory_space<vmem>>, vector<16xf32>,
      tpu.vector_store %arg12[%swap3A_213], %gather3A_212 {strides = array<i32>} : memref<9984xf32, #tpu.memory_space<vmem>>, vector<16xf32>,
      %get3A_215 = arith.constant 1 : i32
      %get3A_216 = arith.index_cast %get3A_215 : i32 to index
      %get3A_217 = arith.index_cast %mul3A_207 : i32 to index
      %get3A_218 = tpu.vector_load %arg8[%get3A_216, %get3A_217] {strides = array<i32>} : memref<2x9984xi32, #tpu.memory_space<vmem>>, vector<16xi32>,
      %swap3A_219 = arith.index_cast %mul3A_207 : i32 to index
      %swap3A_220 = tpu.vector_load %arg10[%swap3A_219] {strides = array<i32>} : memref<9984xi32, #tpu.memory_space<vmem>>, vector<16xi32>,
      tpu.vector_store %arg10[%swap3A_219], %get3A_218 {strides = array<i32>} : memref<9984xi32, #tpu.memory_space<vmem>>, vector<16xi32>,
    }
    %scan3A_48 = arith.constant 624 : i32
    %convert_element_type3A = arith.extui %lt3A_8 : i1 to i32
    %cond3A = arith.constant 0 : i32
    %cond3A_49 = arith.cmpi ne, %convert_element_type3A, %cond3A : i32
    scf.if %cond3A_49 {
      %broadcast_in_dim3A = arith.constant 0.000000e+00 : f32
      %broadcast_in_dim3A_57 = vector.broadcast %broadcast_in_dim3A : f32 to vector<16xf32>
      %swap3A = arith.constant 9856 : index
      %swap3A_58 = tpu.vector_load %arg12[%swap3A] {strides = array<i32>} : memref<9984xf32, #tpu.memory_space<vmem>>, vector<16xf32>,
      tpu.vector_store %arg12[%swap3A], %broadcast_in_dim3A_57 {strides = array<i32>} : memref<9984xf32, #tpu.memory_space<vmem>>, vector<16xf32>,
      %broadcast_in_dim3A_59 = arith.constant 0.000000e+00 : f32
      %broadcast_in_dim3A_60 = vector.broadcast %broadcast_in_dim3A_59 : f32 to vector<16xf32>
      %swap3A_61 = arith.constant 9872 : index
      %swap3A_62 = tpu.vector_load %arg12[%swap3A_61] {strides = array<i32>} : memref<9984xf32, #tpu.memory_space<vmem>>, vector<16xf32>,
      tpu.vector_store %arg12[%swap3A_61], %broadcast_in_dim3A_60 {strides = array<i32>} : memref<9984xf32, #tpu.memory_space<vmem>>, vector<16xf32>,
      %broadcast_in_dim3A_63 = arith.constant 0.000000e+00 : f32
      %broadcast_in_dim3A_64 = vector.broadcast %broadcast_in_dim3A_63 : f32 to vector<16xf32>
      %swap3A_65 = arith.constant 9888 : index
      %swap3A_66 = tpu.vector_load %arg12[%swap3A_65] {strides = array<i32>} : memref<9984xf32, #tpu.memory_space<vmem>>, vector<16xf32>,
      tpu.vector_store %arg12[%swap3A_65], %broadcast_in_dim3A_64 {strides = array<i32>} : memref<9984xf32, #tpu.memory_space<vmem>>, vector<16xf32>,
      %broadcast_in_dim3A_67 = arith.constant 0.000000e+00 : f32
      %broadcast_in_dim3A_68 = vector.broadcast %broadcast_in_dim3A_67 : f32 to vector<16xf32>
      %swap3A_69 = arith.constant 9904 : index
      %swap3A_70 = tpu.vector_load %arg12[%swap3A_69] {strides = array<i32>} : memref<9984xf32, #tpu.memory_space<vmem>>, vector<16xf32>,
      tpu.vector_store %arg12[%swap3A_69], %broadcast_in_dim3A_68 {strides = array<i32>} : memref<9984xf32, #tpu.memory_space<vmem>>, vector<16xf32>,
      %broadcast_in_dim3A_71 = arith.constant 0.000000e+00 : f32
      %broadcast_in_dim3A_72 = vector.broadcast %broadcast_in_dim3A_71 : f32 to vector<16xf32>
      %swap3A_73 = arith.constant 9920 : index
      %swap3A_74 = tpu.vector_load %arg12[%swap3A_73] {strides = array<i32>} : memref<9984xf32, #tpu.memory_space<vmem>>, vector<16xf32>,
      tpu.vector_store %arg12[%swap3A_73], %broadcast_in_dim3A_72 {strides = array<i32>} : memref<9984xf32, #tpu.memory_space<vmem>>, vector<16xf32>,
      %broadcast_in_dim3A_75 = arith.constant 0.000000e+00 : f32
      %broadcast_in_dim3A_76 = vector.broadcast %broadcast_in_dim3A_75 : f32 to vector<16xf32>
      %swap3A_77 = arith.constant 9936 : index
      %swap3A_78 = tpu.vector_load %arg12[%swap3A_77] {strides = array<i32>} : memref<9984xf32, #tpu.memory_space<vmem>>, vector<16xf32>,
      tpu.vector_store %arg12[%swap3A_77], %broadcast_in_dim3A_76 {strides = array<i32>} : memref<9984xf32, #tpu.memory_space<vmem>>, vector<16xf32>,
      %broadcast_in_dim3A_79 = arith.constant 0.000000e+00 : f32
      %broadcast_in_dim3A_80 = vector.broadcast %broadcast_in_dim3A_79 : f32 to vector<16xf32>
      %swap3A_81 = arith.constant 9952 : index
      %swap3A_82 = tpu.vector_load %arg12[%swap3A_81] {strides = array<i32>} : memref<9984xf32, #tpu.memory_space<vmem>>, vector<16xf32>,
      tpu.vector_store %arg12[%swap3A_81], %broadcast_in_dim3A_80 {strides = array<i32>} : memref<9984xf32, #tpu.memory_space<vmem>>, vector<16xf32>,
      %broadcast_in_dim3A_83 = arith.constant 0.000000e+00 : f32
      %broadcast_in_dim3A_84 = vector.broadcast %broadcast_in_dim3A_83 : f32 to vector<16xf32>
      %swap3A_85 = arith.constant 9968 : index
      %swap3A_86 = tpu.vector_load %arg12[%swap3A_85] {strides = array<i32>} : memref<9984xf32, #tpu.memory_space<vmem>>, vector<16xf32>,
      tpu.vector_store %arg12[%swap3A_85], %broadcast_in_dim3A_84 {strides = array<i32>} : memref<9984xf32, #tpu.memory_space<vmem>>, vector<16xf32>,
    } else {
    }
    %dma_start3A_50 = arith.constant 0 : i32
    %dma_start3A_51 = tpu.memref_slice %arg19[%dma_start3A_50] : memref<10240xf32, #tpu.memory_space<vmem_shared>> -> memref<10240xf32, #tpu.memory_space<vmem_shared>>
    tpu.enqueue_indirect_dma source(%arg12 : memref<9984xf32, #tpu.memory_space<vmem>>) target(%dma_start3A_51 : memref<10240xf32, #tpu.memory_space<vmem_shared>>) offsets(%arg10 : memref<9984xi32, #tpu.memory_space<vmem>>) semaphore(%arg21 : memref<!tpu.dma_semaphore, #tpu.memory_space<semaphore_mem>>) {add = true}
    %dma_wait3A_52 = arith.constant 0 : i32
    %dma_wait3A_53 = tpu.memref_slice %arg19[%dma_wait3A_52] : memref<10240xf32, #tpu.memory_space<vmem_shared>> -> memref<10240xf32, #tpu.memory_space<vmem_shared>>
    tpu.wait_indirect_dma semaphore(%arg20 : memref<!tpu.dma_semaphore, #tpu.memory_space<semaphore_mem>>) src(%arg11 : memref<10112xf32, #tpu.memory_space<vmem>>) dst(%dma_wait3A_53 : memref<10240xf32, #tpu.memory_space<vmem_shared>>)
    %dma_wait3A_54 = arith.constant 0 : i32
    %dma_wait3A_55 = tpu.memref_slice %arg19[%dma_wait3A_54] : memref<10240xf32, #tpu.memory_space<vmem_shared>> -> memref<10240xf32, #tpu.memory_space<vmem_shared>>
    tpu.wait_indirect_dma semaphore(%arg21 : memref<!tpu.dma_semaphore, #tpu.memory_space<semaphore_mem>>) src(%arg12 : memref<9984xf32, #tpu.memory_space<vmem>>) dst(%dma_wait3A_55 : memref<10240xf32, #tpu.memory_space<vmem_shared>>)
    %barrier3A_56 = arith.constant 0 : index
    tpu.barrier barrier_id(%barrier3A_56)
    "tpu.region"() ({
      %run_scoped3A_57 = tpu.sem_alloc : memref<!tpu.dma_semaphore, #tpu.memory_space<semaphore_mem>>
      %dma_start3A_58 = tpu.memref_slice %arg5[%arg0, %mul3A_10] : memref<2x10240xf32, #tpu.memory_space<hbm>> -> memref<1x640xf32, #tpu.memory_space<hbm>>
      %dma_start3A_59 = tpu.memref_squeeze %dma_start3A_58 : memref<1x640xf32, #tpu.memory_space<hbm>> -> memref<640xf32, #tpu.memory_space<hbm>>
      %dma_start3A_60 = tpu.memref_slice %arg19[%mul3A_10] : memref<10240xf32, #tpu.memory_space<vmem_shared>> -> memref<640xf32, #tpu.memory_space<vmem_shared>>
      tpu.enqueue_dma source(%dma_start3A_60 : memref<640xf32, #tpu.memory_space<vmem_shared>>) target(%dma_start3A_59 : memref<640xf32, #tpu.memory_space<hbm>>) target_semaphore(%run_scoped3A_57 : memref<!tpu.dma_semaphore, #tpu.memory_space<semaphore_mem>>)
      %dma_wait3A_61 = tpu.memref_slice %arg5[%arg0, %mul3A_10] : memref<2x10240xf32, #tpu.memory_space<hbm>> -> memref<1x640xf32, #tpu.memory_space<hbm>>
      %dma_wait3A_62 = tpu.memref_squeeze %dma_wait3A_61 : memref<1x640xf32, #tpu.memory_space<hbm>> -> memref<640xf32, #tpu.memory_space<hbm>>
      %dma_wait3A_63 = tpu.memref_slice %arg19[%mul3A_10] : memref<10240xf32, #tpu.memory_space<vmem_shared>> -> memref<640xf32, #tpu.memory_space<vmem_shared>>
      tpu.wait_dma2 semaphore(%run_scoped3A_57 : memref<!tpu.dma_semaphore, #tpu.memory_space<semaphore_mem>>) src(%dma_wait3A_63 : memref<640xf32, #tpu.memory_space<vmem_shared>>) dst(%dma_wait3A_62 : memref<640xf32, #tpu.memory_space<hbm>>)
      tpu.yield
    }) : () -> ()
    return
  }
}

module attributes {stable_mosaic.version = 14 : i64} {
  func.func @_e_body(%arg0: memref<2x10240xf32, #tpu.memory_space<vmem>>, %arg1: memref<10240xf32, #tpu.memory_space<vmem>>, %arg2: memref<2x10240xf32, #tpu.memory_space<vmem>>, %arg3: memref<10240xi32, #tpu.memory_space<vmem>>, %arg4: memref<1xf32, #tpu.memory_space<vmem>>, %arg5: memref<1x1xf32, #tpu.memory_space<vmem>>, %arg6: memref<1xf32, #tpu.memory_space<vmem>>, %arg7: memref<1xf32, #tpu.memory_space<vmem>>, %arg8: memref<1xf32, #tpu.memory_space<vmem>>, %arg9: memref<1x2xf32, #tpu.memory_space<vmem>>, %arg10: memref<2xf32, #tpu.memory_space<vmem>>, %arg11: memref<64x2xf32, #tpu.memory_space<vmem>>) attributes {dimension_semantics = [], scalar_prefetch = 0 : i64, scratch_operands = 0 : i64, tpu.core_type = #tpu.core_type<tc>} {
    %get3A = arith.constant 0 : index
    %get3A_0 = arith.constant 0 : index
    %get3A_1 = vector.load %arg0[%get3A, %get3A_0] : memref<2x10240xf32, #tpu.memory_space<vmem>>, vector<1x10240xf32>
    %get3A_2 = vector.shape_cast %get3A_1 : vector<1x10240xf32> to vector<10240xf32>
    %get3A_3 = arith.constant 1 : index
    %get3A_4 = arith.constant 0 : index
    %get3A_5 = vector.load %arg0[%get3A_3, %get3A_4] : memref<2x10240xf32, #tpu.memory_space<vmem>>, vector<1x10240xf32>
    %get3A_6 = vector.shape_cast %get3A_5 : vector<1x10240xf32> to vector<10240xf32>
    %add3A = arith.addf %get3A_2, %get3A_6 : vector<10240xf32>
    %add3A_7 = arith.constant 1.000000e+00 : f32
    %add3A_8 = vector.broadcast %add3A_7 : f32 to vector<10240xf32>
    %add3A_9 = arith.addf %add3A, %add3A_8 : vector<10240xf32>
    %rsqrt3A = math.rsqrt %add3A_9 : vector<10240xf32>
    %get3A_10 = arith.constant 0 : index
    %get3A_11 = vector.load %arg1[%get3A_10] : memref<10240xf32, #tpu.memory_space<vmem>>, vector<10240xf32>
    %mul3A = arith.mulf %get3A_11, %rsqrt3A : vector<10240xf32>
    %get3A_12 = arith.constant 0 : index
    %get3A_13 = arith.constant 0 : index
    %get3A_14 = vector.load %arg2[%get3A_12, %get3A_13] : memref<2x10240xf32, #tpu.memory_space<vmem>>, vector<1x10240xf32>
    %get3A_15 = vector.shape_cast %get3A_14 : vector<1x10240xf32> to vector<10240xf32>
    %get3A_16 = arith.constant 1 : index
    %get3A_17 = arith.constant 0 : index
    %get3A_18 = vector.load %arg2[%get3A_16, %get3A_17] : memref<2x10240xf32, #tpu.memory_space<vmem>>, vector<1x10240xf32>
    %get3A_19 = vector.shape_cast %get3A_18 : vector<1x10240xf32> to vector<10240xf32>
    %add3A_20 = arith.addf %get3A_15, %get3A_19 : vector<10240xf32>
    %add3A_21 = arith.addf %add3A_20, %mul3A : vector<10240xf32>
    %mul3A_22 = arith.mulf %rsqrt3A, %add3A_21 : vector<10240xf32>
    %get3A_23 = arith.constant 0 : index
    %get3A_24 = vector.load %arg4[%get3A_23] : memref<1xf32, #tpu.memory_space<vmem>>, vector<1xf32>
    %get3A_25 = vector.extract %get3A_24[0] : f32 from vector<1xf32>
    %add3A_26 = vector.broadcast %get3A_25 : f32 to vector<10240xf32>
    %add3A_27 = arith.addf %mul3A_22, %add3A_26 : vector<10240xf32>
    %max3A = arith.constant 0.000000e+00 : f32
    %max3A_28 = vector.broadcast %max3A : f32 to vector<10240xf32>
    %max3A_29 = arith.maximumf %add3A_27, %max3A_28 : vector<10240xf32>
    %iota3A = tpu.iota {dimensions = array<i32: 1>} : vector<10240x64xi32>
    %get3A_30 = arith.constant 0 : index
    %get3A_31 = vector.load %arg3[%get3A_30] : memref<10240xi32, #tpu.memory_space<vmem>>, vector<10240xi32>
    %broadcast_in_dim3A = vector.shape_cast %get3A_31 : vector<10240xi32> to vector<10240x1xi32>
    %eq3A = vector.broadcast %broadcast_in_dim3A : vector<10240x1xi32> to vector<10240x64xi32>
    %eq3A_32 = arith.cmpi eq, %eq3A, %iota3A : vector<10240x64xi32>
    %convert_element_type3A = arith.extui %eq3A_32 : vector<10240x64xi1> to vector<10240x64xi32>
    %convert_element_type3A_33 = arith.sitofp %convert_element_type3A : vector<10240x64xi32> to vector<10240x64xf32>
    %broadcast_in_dim3A_34 = vector.shape_cast %max3A_29 : vector<10240xf32> to vector<1x10240xf32>
    %dot_general3A = arith.constant dense<0.000000e+00> : vector<1x64xf32>
    %dot_general3A_35 = tpu.matmul %broadcast_in_dim3A_34, %convert_element_type3A_33, %dot_general3A {dimension_numbers = #tpu.dot_dimension_numbers<[1], [0], [0], [1], [0, 0, 1, 1], [], []>, transpose_lhs_hint = false} : vector<1x10240xf32>, vector<10240x64xf32>, vector<1x64xf32> -> vector<1x64xf32>
    %squeeze3A = vector.shape_cast %dot_general3A_35 : vector<1x64xf32> to vector<64xf32>
    %reduce_sum3A = arith.constant dense<0.000000e+00> : vector<64xf32>
    %reduce_sum3A_36 = vector.multi_reduction <add>, %convert_element_type3A_33, %reduce_sum3A [0] : vector<10240x64xf32> to vector<64xf32>
    %max3A_37 = arith.constant 1.000000e+00 : f32
    %max3A_38 = vector.broadcast %max3A_37 : f32 to vector<64xf32>
    %max3A_39 = arith.maximumf %reduce_sum3A_36, %max3A_38 : vector<64xf32>
    %div3A = arith.divf %squeeze3A, %max3A_39 : vector<64xf32>
    %get3A_40 = arith.constant 0 : index
    %get3A_41 = arith.constant 0 : index
    %get3A_42 = vector.load %arg5[%get3A_40, %get3A_41] : memref<1x1xf32, #tpu.memory_space<vmem>>, vector<1x1xf32>
    %get3A_43 = vector.extract %get3A_42[0, 0] : f32 from vector<1x1xf32>
    %mul3A_44 = vector.broadcast %get3A_43 : f32 to vector<64xf32>
    %mul3A_45 = arith.mulf %div3A, %mul3A_44 : vector<64xf32>
    %get3A_46 = arith.constant 0 : index
    %get3A_47 = vector.load %arg6[%get3A_46] : memref<1xf32, #tpu.memory_space<vmem>>, vector<1xf32>
    %get3A_48 = vector.extract %get3A_47[0] : f32 from vector<1xf32>
    %add3A_49 = vector.broadcast %get3A_48 : f32 to vector<64xf32>
    %add3A_50 = arith.addf %mul3A_45, %add3A_49 : vector<64xf32>
    %get3A_51 = arith.constant 0 : index
    %get3A_52 = vector.load %arg7[%get3A_51] : memref<1xf32, #tpu.memory_space<vmem>>, vector<1xf32>
    %get3A_53 = vector.extract %get3A_52[0] : f32 from vector<1xf32>
    %mul3A_54 = arith.constant 0.999994993 : f32
    %mul3A_55 = arith.mulf %get3A_53, %mul3A_54 : f32
    %mul3A_56 = vector.broadcast %mul3A_55 : f32 to vector<64xf32>
    %mul3A_57 = arith.mulf %add3A_50, %mul3A_56 : vector<64xf32>
    %get3A_58 = arith.constant 0 : index
    %get3A_59 = vector.load %arg8[%get3A_58] : memref<1xf32, #tpu.memory_space<vmem>>, vector<1xf32>
    %get3A_60 = vector.extract %get3A_59[0] : f32 from vector<1xf32>
    %add3A_61 = vector.broadcast %get3A_60 : f32 to vector<64xf32>
    %add3A_62 = arith.addf %mul3A_57, %add3A_61 : vector<64xf32>
    %max3A_63 = arith.constant 0.000000e+00 : f32
    %max3A_64 = vector.broadcast %max3A_63 : f32 to vector<64xf32>
    %max3A_65 = arith.maximumf %add3A_62, %max3A_64 : vector<64xf32>
    %broadcast_in_dim3A_66 = vector.shape_cast %max3A_65 : vector<64xf32> to vector<64x1xf32>
    %get3A_67 = arith.constant 0 : index
    %get3A_68 = arith.constant 0 : index
    %get3A_69 = vector.load %arg9[%get3A_67, %get3A_68] : memref<1x2xf32, #tpu.memory_space<vmem>>, vector<1x2xf32>
    %mul3A_70 = vector.broadcast %broadcast_in_dim3A_66 : vector<64x1xf32> to vector<64x2xf32>
    %mul3A_71 = vector.broadcast %get3A_69 : vector<1x2xf32> to vector<64x2xf32>
    %mul3A_72 = arith.mulf %mul3A_70, %mul3A_71 : vector<64x2xf32>
    %get3A_73 = arith.constant 0 : index
    %get3A_74 = vector.load %arg10[%get3A_73] : memref<2xf32, #tpu.memory_space<vmem>>, vector<2xf32>
    %broadcast_in_dim3A_75 = vector.shape_cast %get3A_74 : vector<2xf32> to vector<1x2xf32>
    %add3A_76 = vector.broadcast %broadcast_in_dim3A_75 : vector<1x2xf32> to vector<64x2xf32>
    %add3A_77 = arith.addf %mul3A_72, %add3A_76 : vector<64x2xf32>
    %logistic3A = arith.negf %add3A_77 : vector<64x2xf32>
    %logistic3A_78 = math.exp %logistic3A : vector<64x2xf32>
    %logistic3A_79 = arith.constant 1.000000e+00 : f32
    %logistic3A_80 = vector.broadcast %logistic3A_79 : f32 to vector<64x2xf32>
    %logistic3A_81 = arith.addf %logistic3A_80, %logistic3A_78 : vector<64x2xf32>
    %logistic3A_82 = arith.divf %logistic3A_80, %logistic3A_81 : vector<64x2xf32>
    %swap3A = arith.constant 0 : index
    %swap3A_83 = arith.constant 0 : index
    %swap3A_84 = vector.load %arg11[%swap3A, %swap3A_83] : memref<64x2xf32, #tpu.memory_space<vmem>>, vector<64x2xf32>
    tpu.vector_store %arg11[%swap3A, %swap3A_83], %logistic3A_82 {strides = array<i32>} : memref<64x2xf32, #tpu.memory_space<vmem>>, vector<64x2xf32>,
    return
  }
}

module attributes {stable_mosaic.version = 14 : i64} {
  func.func @_c1_body(%arg0: i32, %arg1: memref<2048x128xf32, #tpu.memory_space<vmem>>, %arg2: memref<128x1xf32, #tpu.memory_space<vmem>>, %arg3: memref<2048xf32, #tpu.memory_space<vmem>>) attributes {dimension_semantics = [#tpu.dimension_semantics<arbitrary>], iteration_bounds = array<i64: 5>, scalar_prefetch = 0 : i64, scratch_operands = 0 : i64, tpu.core_type = #tpu.core_type<tc>, window_params = [{transform_indices = @transform_0, window_bounds = array<i64: 2048, 128>}, {pipeline_mode = #tpu.pipeline_mode<synchronous>, transform_indices = @transform_1, window_bounds = array<i64: 128, 1>}, {transform_indices = @transform_2, window_bounds = array<i64: 2048>}]} {
    %get3A = arith.constant 0 : index
    %get3A_0 = arith.constant 0 : index
    %get3A_1 = vector.load %arg1[%get3A, %get3A_0] : memref<2048x128xf32, #tpu.memory_space<vmem>>, vector<2048x128xf32>
    %get3A_2 = arith.constant 0 : index
    %get3A_3 = arith.constant 0 : index
    %get3A_4 = vector.load %arg2[%get3A_2, %get3A_3] : memref<128x1xf32, #tpu.memory_space<vmem>>, vector<128x1xf32>
    %dot_general3A = arith.constant dense<0.000000e+00> : vector<2048x1xf32>
    %dot_general3A_5 = tpu.matmul %get3A_1, %get3A_4, %dot_general3A {dimension_numbers = #tpu.dot_dimension_numbers<[1], [0], [0], [1], [0, 0, 1, 1], [], []>, transpose_lhs_hint = false} : vector<2048x128xf32>, vector<128x1xf32>, vector<2048x1xf32> -> vector<2048x1xf32>
    %squeeze3A = vector.shape_cast %dot_general3A_5 : vector<2048x1xf32> to vector<2048xf32>
    %mul3A = arith.constant 2048 : i32
    %mul3A_6 = arith.muli %arg0, %mul3A : i32
    %iota3A = tpu.iota {dimensions = array<i32: 1>} : vector<1x2048xi32>
    %iota3A_7 = vector.shape_cast %iota3A : vector<1x2048xi32> to vector<2048xi32>
    %add3A = vector.broadcast %mul3A_6 : i32 to vector<2048xi32>
    %add3A_8 = arith.addi %add3A, %iota3A_7 : vector<2048xi32>
    %lt3A = arith.constant 10000 : i32
    %lt3A_9 = vector.broadcast %lt3A : i32 to vector<2048xi32>
    %lt3A_10 = arith.cmpi slt, %add3A_8, %lt3A_9 : vector<2048xi32>
    %jit3A = arith.constant 0.000000e+00 : f32
    %broadcast_in_dim3A = vector.broadcast %jit3A : f32 to vector<2048xf32>
    %select_n3A = arith.select %lt3A_10, %squeeze3A, %broadcast_in_dim3A : vector<2048xi1>, vector<2048xf32>
    %swap3A = arith.constant 0 : index
    %swap3A_11 = vector.load %arg3[%swap3A] : memref<2048xf32, #tpu.memory_space<vmem>>, vector<2048xf32>
    tpu.vector_store %arg3[%swap3A], %select_n3A {strides = array<i32>} : memref<2048xf32, #tpu.memory_space<vmem>>, vector<2048xf32>,
    return
  }
  func.func @transform_0(%arg0: i32) -> (i32, i32) {
    %c0_i32 = arith.constant 0 : i32
    %c0_i32_0 = arith.constant 0 : i32
    return %arg0, %c0_i32 : i32, i32
  }
  func.func @transform_1(%arg0: i32) -> (i32, i32) {
    %c0_i32 = arith.constant 0 : i32
    %c0_i32_0 = arith.constant 0 : i32
    %c0_i32_1 = arith.constant 0 : i32
    return %c0_i32, %c0_i32_0 : i32, i32
  }
  func.func @transform_2(%arg0: i32) -> i32 {
    %c0_i32 = arith.constant 0 : i32
    return %arg0 : i32
  }
}

</mosaic_0001>

<sc_bundles>
// kernel: kernel.6.cloned.1.call-start
scs
__scs_entry_jumppad:
0x0: {  	(pc) =	sbr.rel $0x88, $3  }
0x1: {  	(tag) =	ssettag $0x0;
	lr =	simm.s32 $0x1  }
0x2: {  	[smem:$0x3F96] =	sst lr;
	_ =	strace $0xD0000000  }
0x3: {  	_ = 	snop  }
0x4: {  	_ = 	snop  }
0x5: {  	_ = 	snop  }
0x6: {  	_ = 	snop  }
0x7: {  	_ = 	snop  }
__scs_overlays_trampoline_lowered:
0x8: {  	[smem:$0x3FA5] =	sst s0  }
0x9: {  	[smem:$0x3FA6] =	sst s1  }
0xa: {  	[smem:$0x3FA7] =	sst s2  }
0xb: {  	[smem:$0x3FA8] =	sst s3  }
0xc: {  	[smem:$0x3FA9] =	sst s4  }
0xd: {  	[smem:$0x3FAA] =	sst s5  }
0xe: {  	[smem:$0x3FAB] =	sst s6  }
0xf: {  	[smem:$0x3FAC] =	sst s7  }
0x10: {  	[smem:$0x3FAD] =	sst s8  }
0x11: {  	[smem:$0x3FAE] =	sst s9;
	s0 =	simm.s32 @!p0 $0x0  }
0x12: {  	s1 =	sld [smem:$0x3F94];
	s0 =	simm.s32 @p0 $0x1  }
0x13: {  	[smem:$0x3FAF] =	sst s0;
	s0 =	simm.s32 @!p1 $0x0  }
0x14: {  	s2 =	sld [smem:$0x3F93];
	s0 =	simm.s32 @p1 $0x1  }
0x15: {  	[smem:$0x3FB0] =	sst s0;
	s0 =	simm.s32 @!p2 $0x0  }
0x16: {  	s3 =	sld [smem:$0x3FDB];
	s0 =	simm.s32 @p2 $0x1  }
0x17: {  	s4 =	simm.s32 $0x1BF5;
	[smem:$0x3FB2] =	sst s0  }
0x18: {  	s0 =	sld [smem:$0x3F95];
	_ =	swait.ge [sflag:s4], $0x0  }
0x19: {  	s7 =	sld [smem:$0x3F96]  }
0x1a: {  	s8 =	sadd.s32 $0xFFFFE003, lr  }
0x1b: {  	s9 =	sadd.s32 $0xFFFFFEF7, lr;
	s5 =	simm.s32 $0xFFFFFFFF;
	p2 =	slt.u32 s8, $0xFFFFF086  }
0x1c: {  	p1 =	slt.u32 s9, $0xF7A;
	s5 =	simm.s32 @!p2 $0x0  }
0x1d: {  	s5 =	simm.s32 @p1 $0x1;
	p0 =	seq.s32 s7, s2  }
0x1e: {  	s7 =	smul.u32 @!p0 $0xF7A, s2;
	p2 =	seq.s32 @!p0 s5, $0x0  }
0x1f: {  	s9 =	smul.u32 $0xF7A, s1;
	s8 =	simm.s32 @!p0 $0x1BF5;
	p2 =	por !p2, p0  }
0x20: {  	[sflag:s8] =	ssyncset.s32 @!p0 $0xFFFFF086;
	s6 =	sadd.s32 @!p0 s3, s7;
	s7 =	simm.s32 @!p0 $0x108  }
0x21: {  	s3 =	sadd.s32 s3, s9;
	s6 =	sadd.s32 @!p0 $0x88, s6;
	s7 =	simm.s32 @p2 $0x1082  }
0x22: {  	[simem:s7], [sflag:s8] =	dma.local @!p0 [hbm:s6], $0xF7A  }
0x23: {  	s9 =	sor.u32 $0xD0000000, s2;
	s6 =	simm.s32 $0x108;
	_ =	swait.ge @!p0 [sflag:s8], $0x0  }
0x24: {  	s3 =	sadd.s32 $0x88, s3;
	s6 =	simm.s32 @!p1 $0x1082;
	[sflag:s4] =	ssyncset.s32 $0xFFFFF086  }
0x25: {  	[simem:s6], [sflag:s4] =	dma.local [hbm:s3], $0xF7A  }
0x26: {  	[smem:$0x3F96] =	sst s1;
	(tag) =	ssettag s2;
	_ =	strace s9  }
0x27: {  	s1 =	sld [smem:$0x3FA6]  }
0x28: {  	s2 =	sld [smem:$0x3FA7]  }
0x29: {  	s4 =	sld [smem:$0x3FA9]  }
0x2a: {  	p0 =	seq.s32 s5, $0x0;
	s5 =	sld [smem:$0x3FAA]  }
0x2b: {  	s6 =	sld [smem:$0x3FAB]  }
0x2c: {  	s7 =	sld [smem:$0x3FAC]  }
0x2d: {  	s3 =	simm.s32 $0x108;
	s8 =	sld [smem:$0x3FAD]  }
0x2e: {  	s3 =	simm.s32 @!p0 $0x1082;
	s9 =	sld [smem:$0x3FAE]  }
0x2f: {  	lr =	sadd.s32 s0, s3;
	s0 =	sld [smem:$0x3FA5]  }
0x30: {  	s3 =	sld [smem:$0x3FA8]  }
0x31: {  	[smem:$0x3FB1] =	sst s10  }
0x32: {  	s10 =	sld [smem:$0x3FAF];
	_ =	sdelay $0x3  }
0x33: {  	p0 =	seq.s32 s10, $0x1;
	s10 =	sld [smem:$0x3FB1];
	_ =	sdelay $0x3  }
0x34: {  	[smem:$0x3FB1] =	sst s10  }
0x35: {  	s10 =	sld [smem:$0x3FB0];
	_ =	sdelay $0x3  }
0x36: {  	p1 =	seq.s32 s10, $0x1;
	s10 =	sld [smem:$0x3FB1];
	_ =	sdelay $0x3  }
0x37: {  	[smem:$0x3FB1] =	sst s10  }
0x38: {  	s10 =	sld [smem:$0x3FB2]  }
0x39: {  	_ = 	snop;
	(pc) =	sbr.ind lr, $3  }
0x3a: {  	_ = 	snop  }
0x3b: {  	_ = 	snop  }
0x3c: {  	p2 =	seq.s32 s10, $0x1;
	s10 =	sld [smem:$0x3FB1]  }
0x3d: {  	_ =	shalt  }
0x3e: {  	_ =	shalt  }
0x3f: {  	_ =	shalt  }
0x40: {  	_ =	shalt  }
0x41: {  	_ =	shalt  }
0x42: {  	_ =	shalt  }
0x43: {  	_ =	shalt  }
0x44: {  	_ =	shalt  }
0x45: {  	_ =	shalt  }
0x46: {  	_ =	shalt  }
0x47: {  	_ =	shalt  }
0x48: {  	_ =	shalt  }
0x49: {  	_ =	shalt  }
0x4a: {  	_ =	shalt  }
0x4b: {  	_ =	shalt  }
0x4c: {  	_ =	shalt  }
0x4d: {  	_ =	shalt  }
0x4e: {  	_ =	shalt  }
0x4f: {  	_ =	shalt  }
0x50: {  	_ =	shalt  }
0x51: {  	_ =	shalt  }
0x52: {  	_ =	shalt  }
0x53: {  	_ =	shalt  }
0x54: {  	_ =	shalt  }
0x55: {  	_ =	shalt  }
0x56: {  	_ =	shalt  }
0x57: {  	_ =	shalt  }
0x58: {  	_ =	shalt  }
0x59: {  	_ =	shalt  }
0x5a: {  	_ =	shalt  }
0x5b: {  	_ =	shalt  }
0x5c: {  	_ =	shalt  }
0x5d: {  	_ =	shalt  }
0x5e: {  	_ =	shalt  }
0x5f: {  	_ =	shalt  }
0x60: {  	_ =	shalt  }
0x61: {  	_ =	shalt  }
0x62: {  	_ =	shalt  }
0x63: {  	_ =	shalt  }
0x64: {  	_ =	shalt  }
0x65: {  	_ =	shalt  }
0x66: {  	_ =	shalt  }
0x67: {  	_ =	shalt  }
0x68: {  	_ =	shalt  }
0x69: {  	_ =	shalt  }
0x6a: {  	_ =	shalt  }
0x6b: {  	_ =	shalt  }
0x6c: {  	_ =	shalt  }
0x6d: {  	_ =	shalt  }
0x6e: {  	_ =	shalt  }
0x6f: {  	_ =	shalt  }
0x70: {  	_ =	shalt  }
0x71: {  	_ =	shalt  }
0x72: {  	_ =	shalt  }
0x73: {  	_ =	shalt  }
0x74: {  	_ =	shalt  }
0x75: {  	_ =	shalt  }
0x76: {  	_ =	shalt  }
0x77: {  	_ =	shalt  }
0x78: {  	_ =	shalt  }
0x79: {  	_ =	shalt  }
0x7a: {  	_ =	shalt  }
0x7b: {  	_ =	shalt  }
0x7c: {  	_ =	shalt  }
0x7d: {  	_ =	shalt  }
0x7e: {  	_ =	shalt  }
0x7f: {  	_ =	shalt  }
0x80: {  	_ =	shalt  }
0x81: {  	_ =	shalt  }
0x82: {  	_ =	shalt  }
0x83: {  	_ =	shalt  }
0x84: {  	_ =	shalt  }
0x85: {  	_ =	shalt  }
0x86: {  	_ =	shalt  }
0x87: {  	_ =	shalt  }
.Lfunc_end0:
.L_simem_size_0:
called_computation_lowered:
.L_overlay_start_0:
0x88: {  	s2 =	sld [smem:$0x3FD9]  }
0x89: {  	s3 =	sld [smem:$0x3FFE];
	_ =	sdelay $0x1  }
0x8a: {  	s1 =	srdreg.scid  }
0x8b: {  	s0 =	sand.u32 $0x1, s1  }
0x8c: {  	s17 =	sshll.u32 s0, $0xA;
	s2 =	sadd.s32 s3, s2  }
0x8d: {  	s2 =	sadd.s32 s2, s17  }
0x8e: {  	[smem:$0x3FBD] =	sst s2  }
0x8f: {  	_ = 	snop  }
0x90: {  	s2 =	sld [smem:$0x3FC8];
	(tm) =	ssettm $0x1  }
0x91: {  	s18 =	sld [smem:$0x3FFB];
	_ =	sdelay $0x3  }
0x92: {  	_ =	strace s18  }
0x93: {  	s3 =	sld [smem:$0x3FFC];
	_ =	sdelay $0x3  }
0x94: {  	_ =	strace s3  }
0x95: {  	s3 =	sld [smem:$0x3FFD];
	_ =	sdelay $0x3  }
0x96: {  	_ =	strace s3  }
0x97: {  	_ =	strace $0x8FFFFFFF  }
0x98: {  	s19 =	sld [smem:$0x3FDB];
	_ =	sdelay $0x1  }
0x99: {  	s4 =	simm.s32 $_scs_section_size  }
0x9a: {  	s5 =	simm.s32 $_size__tile_overlayer_lowered;
	s6 =	simm.s32 $_tile_overlayer_lowered  }
0x9b: {  	s22 =	simm.s32 $0x1BFF;
	s21 =	sshll.u32 s6, $0x1;
	s3 =	sadd.s32 s4, s19  }
0x9c: {  	s7 =	simm.s32 $0x0;
	s20 =	sshll.u32 s5, $0x1;
	s5 =	sadd.s32 s21, s3  }
0x9d: {  	[timem:s7], [sflag:s22] =	dma.local [hbm:s5], s20  }
0x9e: {  	_ =	swait.ge [sflag:s22], s20  }
0x9f: {  	s4 =	ssub.s32 $0x0, s20;
	[sflag:s22] =	ssyncset.done $0x0  }
0xa0: {  	[sflag:s22] =	ssyncadd.s32 s4;
	_ =	sdelay $0x1  }
0xa1: {  	s23 =	simm.s32 $0x1B8B  }
0xa2: {  	_ =	swait.ge [sflag:s23], $0x1  }
0xa3: {  	[sflag:s23] =	ssyncset.done $0x0  }
0xa4: {  	s25 =	simm.s32 $0x1B8E;
	s24 =	sld [smem:$0x3FFE];
	[sflag:s23] =	ssyncadd.s32 $0xFFFFFFFF  }
0xa5: {  	s26 =	simm.s32 $execute0_lowered;
	[smem:$0x3FD2] =	sst s25  }
0xa6: {  	s5 =	sshll.u32 s26, $0x1;
	_ =	strace $0x80000046;
	[dreg:$0x1] =	wrdreg $0xFFFFFFFF  }
0xa7: {  	s28 =	simm.s32 $_size_execute0_lowered;
	s3 =	sadd.s32 s3, s5;
	[dreg:$0x0] =	wrdreg $0x0  }
0xa8: {  	s5 =	sshll.u32 s28, $0x1;
	[dreg:$0x2] =	wrdreg s3  }
0xa9: {  	[dreg:$0x3] =	wrdreg s5  }
0xaa: {  	[dreg:$0x4] =	wrdreg $0xC0  }
0xab: {  	_ =	task [dreg:s7], $0x5FFFF  }
0xac: {  	[dreg:$0x1] =	wrdreg $0xFFFFFFFF  }
0xad: {  	[dreg:$0x0] =	wrdreg $0x60  }
0xae: {  	[dreg:$0x2] =	wrdreg s2  }
0xaf: {  	[dreg:$0x3] =	wrdreg s24  }
0xb0: {  	[dreg:$0x4] =	wrdreg $0x13C800  }
0xb1: {  	[dreg:$0x5] =	wrdreg $0x9  }
0xb2: {  	_ =	task.clear_ibuf [dreg:s7], $0x6FFFF;
	_ =	strace $0x90000046  }
0xb3: {  	s29 =	simm.s32 $0x9;
	_ =	strace $0x80000048  }
0xb4: {  	_ =	swait.ge [sflag:s29], $0x1  }
0xb5: {  	[sflag:s29] =	ssyncadd.s32 $0xFFFFFFFF  }
0xb6: {  	_ =	strace $0x90000048  }
0xb7: {  	_ =	sfence  }
0xb8: {  	s30 =	sld [smem:$0x0];
	_ =	sdelay $0x2  }
0xb9: {  	s31 =	sshll.u32 s1, $0xD;
	s1 =	sshrl.u32 s1, $0x2  }
0xba: {  	s3 =	sand.u32 $0x4000, s31;
	s1 =	sadd.s32 s1, s30  }
0xbb: {  	s0 =	sor.u32 s3, s0;
	s1 =	sshll.u32 s1, $0x11  }
0xbc: {  	s0 =	sor.u32 s1, s0  }
0xbd: {  	s0 =	sadd.s32 $0x8F2B, s0  }
0xbe: {  	[sflag:s0] =	ssyncadd.remote.s32 $0x1  }
0xbf: {  	_ =	sfence.sel $0xFFFF  }
0xc0: {  	[dreg:$0x0] =	wrdreg $0xFFFFFFFF;
	(pc) =	sbr.abs _section_cstart, $3  }
0xc1: {  	[dreg:$0x1] =	wrdreg $0xFFFFFFFF  }
0xc2: {  	_ =	task.clear_ibuf [dreg:s7], $0x2FFFF;
	_ =	strace $0x9FFFFFFF  }
0xc3: {  	(tm) =	ssettm $0x7FFFFFFF  }
tec
execute0_lowered:
.L_overlay_start_1:
0x0: {  	(tag) =	ssettag $0x1  }
0x1: {  	s4 =	rddreg [dreg:$0x0]  }
0x2: {  	s5 =	rddreg [dreg:$0x1];
	s0 =	srdreg.scid  }
0x3: {  	s2 =	rddreg [dreg:$0x2];
	s1 =	stileid.u32;
	s3 =	simm.s32 $0x0  }
0x4: {  	s12 =	simm.s32 $0x9D00;
	s13 =	simm.s32 $0xEB80;
	s14 =	simm.s32 $0x2700  }
0x5: {  	s15 =	simm.s32 $0xC480;
	s16 =	simm.s32 $0x11300;
	s17 =	simm.s32 $0x2  }
0x6: {  	s18 =	simm.s32 $0x20;
	s19 =	simm.s32 $0x10;
	s20 =	simm.s32 $0x0  }
0x7: {  	s6 =	sand.u32 $0x1, s0;
	s0 =	rddreg [dreg:$0x3];
	s7 =	smul.u32 $0x500, s1  }
0x8: {  	[smem:$0x7FF] =	sst s3;
	s29 =	smul.u32 $0xA00, s1;
	s8 =	sshll.u32 s6, $0x4  }
0x9: {  	s9 =	sshll.u32 s6, $0x7;
	_ =	strace $0x80000047;
	s6 =	ssub.s32 $0x2, s6  }
0xa: {  	s10 =	sor.u32 s1, s8;
	s7 =	sor.u32 s9, s7;
	s30 =	sshrl.u32 s6, $0x1  }
0xb: {  	s31 =	sshrl.u32 s29, $0x2;
	s9 =	simm.s32 $0x3;
	s8 =	smul.u32 $0x9C, s10  }
0xc: {  	s7 =	sshrl.u32 s7, $0x3;
	s28 =	smax.u32 s10, $0x18;
	s11 =	ssub.s32 s6, s30  }
0xd: {  	p0 =	sgt.u32 s10, $0x17;
	s10 =	simm.s32 $0x1;
	s8 =	sadd.s32 s8, s28  }
0xe: {  	s7 =	sadd.s32 s7, s5;
	s5 =	sadd.s32 s31, s2;
	s8 =	sshll.u32 s8, $0x5  }
0xf: {  	s6 =	sadd.s32 $0x1E00, s7;
	s7 =	smax.u32 s11, $0x1;
	s4 =	sadd.s32 s4, s8  }
0x10: {  	v0 =	vimm.f32 $0.0e+00;
	v1 =	vimm.f32 $1.000000000e+00;
	s11 =	simm.s32 $0x2780;
	s8 =	simm.s32 $0x13A00;
	s4 =	sadd.s32 $0xFFFFFD00, s4  }
.LBB2_1:
0x11: {  	[tilespmem:s3], [sflag:$0x1] =	stream.linear.gather [hbm4b:s4+s3], $0x9D00, $0x38;
	[tilespmem:$0x13F00] =	vst v63  }
0x12: {  	[tilespmem:$0x13A00] =	vst v0  }
0x13: {  	[tilespmem:$0x13A10] =	vst v0  }
0x14: {  	[tilespmem:$0x13A20] =	vst v0  }
0x15: {  	[tilespmem:$0x13A30] =	vst v0  }
0x16: {  	[tilespmem:$0x13A40] =	vst v0  }
0x17: {  	[tilespmem:$0x13A50] =	vst v0  }
0x18: {  	[tilespmem:$0x13A60] =	vst v0  }
0x19: {  	[tilespmem:$0x13A70] =	vst v0  }
0x1a: {  	[tilespmem:$0x13A80] =	vst v0  }
0x1b: {  	[tilespmem:$0x13A90] =	vst v0  }
0x1c: {  	[tilespmem:$0x13AA0] =	vst v0  }
0x1d: {  	[tilespmem:$0x13AB0] =	vst v0  }
0x1e: {  	[tilespmem:$0x13AC0] =	vst v0  }
0x1f: {  	[tilespmem:$0x13AD0] =	vst v0  }
0x20: {  	[tilespmem:$0x13AE0] =	vst v0  }
0x21: {  	[tilespmem:$0x13AF0] =	vst v0  }
0x22: {  	[tilespmem:$0x13B00] =	vst v0  }
0x23: {  	[tilespmem:$0x13B10] =	vst v0  }
0x24: {  	[tilespmem:$0x13B20] =	vst v0  }
0x25: {  	[tilespmem:$0x13B30] =	vst v0  }
0x26: {  	[tilespmem:$0x13B40] =	vst v0  }
0x27: {  	[tilespmem:$0x13B50] =	vst v0  }
0x28: {  	[tilespmem:$0x13B60] =	vst v0  }
0x29: {  	[tilespmem:$0x13B70] =	vst v0  }
0x2a: {  	[tilespmem:$0x13B80] =	vst v0  }
0x2b: {  	[tilespmem:$0x13B90] =	vst v0  }
0x2c: {  	[tilespmem:$0x13BA0] =	vst v0  }
0x2d: {  	[tilespmem:$0x13BB0] =	vst v0  }
0x2e: {  	[tilespmem:$0x13BC0] =	vst v0  }
0x2f: {  	[tilespmem:$0x13BD0] =	vst v0  }
0x30: {  	[tilespmem:$0x13BE0] =	vst v0  }
0x31: {  	[tilespmem:$0x13BF0] =	vst v0  }
0x32: {  	[tilespmem:$0x13C00] =	vst v0  }
0x33: {  	[tilespmem:$0x13C10] =	vst v0  }
0x34: {  	[tilespmem:$0x13C20] =	vst v0  }
0x35: {  	[tilespmem:$0x13C30] =	vst v0  }
0x36: {  	[tilespmem:$0x13C40] =	vst v0  }
0x37: {  	[tilespmem:$0x13C50] =	vst v0  }
0x38: {  	[tilespmem:$0x13C60] =	vst v0  }
0x39: {  	[tilespmem:$0x13C70] =	vst v0  }
0x3a: {  	[spmem:s5] =	stream.linear.scatter [tilespmem:s8], [sflag:$0x3], $0x280, $0x38;
	[tilespmem:$0x13F00] =	vst v63  }
0x3b: {  	_ =	swait.ge [sflag:s9], $0x280  }
0x3c: {  	[sflag:s9] =	ssyncset.done $0x0  }
0x3d: {  	s21 =	simm.s32 $0xEBC0;
	[sflag:s9] =	ssyncadd.s32 $0xFFFFFD80  }
0x3e: {  	[tilespmem:s21+$0xFFFFFFC0] =	vst v1  }
0x3f: {  	[tilespmem:s21+$0x30] =	vst v1  }
0x40: {  	[tilespmem:s21+$0x20] =	vst v1  }
0x41: {  	[tilespmem:s21+$0x10] =	vst v1  }
0x42: {  	[tilespmem:s21+$0x0] =	vst v1  }
0x43: {  	[tilespmem:s21+$0xFFFFFFF0] =	vst v1  }
0x44: {  	s22 =	simm.s32 $0x0;
	[tilespmem:s21+$0xFFFFFFE0] =	vst v1  }
.LBB2_2:
0x45: {  	s22 =	sadd.s32 $0x8, s22;
	[tilespmem:s21+$0xFFFFFFD0] =	vst v1;
	s21 =	sadd.s32 $0x80, s21  }
0x46: {  	[tilespmem:s21+$0xFFFFFFC0] =	vst v1;
	p1 =	slt.u32 s22, $0x4E0  }
0x47: {  	[tilespmem:s21+$0x30] =	vst v1  }
.Ltmp0:
0x48: {  	[tilespmem:s21+$0x20] =	vst v1;
	(pc) =	sbr.rel @p1 .LBB2_2-.Ltmp0, $4  }
0x49: {  	[tilespmem:s21+$0x10] =	vst v1  }
0x4a: {  	[tilespmem:s21+$0x0] =	vst v1  }
0x4b: {  	[tilespmem:s21+$0xFFFFFFF0] =	vst v1  }
0x4c: {  	[tilespmem:s21+$0xFFFFFFE0] =	vst v1  }
0x4d: {  	[tilespmem:s21+$0xFFFFFFD0] =	vst v1;
	v2 =	vimm.f32 @!p0 $0.0e+00  }
0x4e: {  	[tilespmem:$0x13980] =	vst @!p0 v2  }
0x4f: {  	[tilespmem:$0x13990] =	vst @!p0 v2  }
0x50: {  	[tilespmem:$0x139A0] =	vst @!p0 v2  }
0x51: {  	[tilespmem:$0x139B0] =	vst @!p0 v2  }
0x52: {  	[tilespmem:$0x139C0] =	vst @!p0 v2  }
0x53: {  	[tilespmem:$0x139D0] =	vst @!p0 v2  }
0x54: {  	[tilespmem:$0x139E0] =	vst @!p0 v2  }
0x55: {  	[tilespmem:$0x139F0] =	vst @!p0 v2  }
0x56: {  	_ =	swait.ge [sflag:s10], $0x9D00  }
0x57: {  	[sflag:s10] =	ssyncset.done $0x0  }
0x58: {  	[sflag:s10] =	ssyncadd.s32 $0xFFFF6300  }
0x59: {  	s22 =	simm.s32 $0xF0;
	[bflag:$0x0] =	sbarrier.arrive $0xFFFF  }
0x5a: {  	v2 =	vld [tilespmem:s22+$0xFFFFFF90];
	_ =	sdelay $0x3  }
0x5b: {  	s21 =	simm.s32 $0x9D40  }
0x5c: {  	[tilespmem:s21+$0xFFFFFFC0] =	vst v2  }
0x5d: {  	v2 =	vld [tilespmem:s22+$0xFFFFFFA0];
	_ =	sdelay $0x4  }
0x5e: {  	[tilespmem:s21+$0xFFFFFFD0] =	vst v2  }
0x5f: {  	v2 =	vld [tilespmem:s22+$0xFFFFFFB0];
	_ =	sdelay $0x4  }
0x60: {  	[tilespmem:s21+$0xFFFFFFE0] =	vst v2  }
0x61: {  	v2 =	vld [tilespmem:s22+$0xFFFFFFC0];
	_ =	sdelay $0x4  }
0x62: {  	[tilespmem:s21+$0xFFFFFFF0] =	vst v2  }
0x63: {  	v2 =	vld [tilespmem:s22+$0xFFFFFFD0];
	_ =	sdelay $0x4  }
0x64: {  	[tilespmem:s21+$0x0] =	vst v2  }
0x65: {  	v2 =	vld [tilespmem:s22+$0xFFFFFFE0];
	_ =	sdelay $0x4  }
0x66: {  	[tilespmem:s21+$0x10] =	vst v2  }
0x67: {  	v2 =	vld [tilespmem:s22+$0xFFFFFFF0];
	_ =	sdelay $0x4  }
0x68: {  	[tilespmem:s21+$0x20] =	vst v2  }
0x69: {  	v2 =	vld [tilespmem:s22+$0x0];
	_ =	sdelay $0x4  }
0x6a: {  	s23 =	simm.s32 $0x1F0;
	s22 =	simm.s32 $0x0;
	[tilespmem:s21+$0x30] =	vst v2  }
.LBB2_4:
0x6b: {  	v2 =	vld [tilespmem:s23+$0xFFFFFF90];
	s22 =	sadd.s32 $0x8, s22  }
0x6c: {  	p1 =	slt.u32 s22, $0x270;
	_ =	sdelay $0x2  }
0x6d: {  	s21 =	sadd.s32 $0x80, s21  }
0x6e: {  	[tilespmem:s21+$0xFFFFFFC0] =	vst v2  }
0x6f: {  	v2 =	vld [tilespmem:s23+$0xFFFFFFA0];
	_ =	sdelay $0x4  }
0x70: {  	[tilespmem:s21+$0xFFFFFFD0] =	vst v2  }
0x71: {  	v2 =	vld [tilespmem:s23+$0xFFFFFFB0];
	_ =	sdelay $0x4  }
0x72: {  	[tilespmem:s21+$0xFFFFFFE0] =	vst v2  }
0x73: {  	v2 =	vld [tilespmem:s23+$0xFFFFFFC0];
	_ =	sdelay $0x4  }
0x74: {  	[tilespmem:s21+$0xFFFFFFF0] =	vst v2  }
0x75: {  	v2 =	vld [tilespmem:s23+$0xFFFFFFD0];
	_ =	sdelay $0x4  }
0x76: {  	[tilespmem:s21+$0x0] =	vst v2  }
0x77: {  	v2 =	vld [tilespmem:s23+$0xFFFFFFE0];
	_ =	sdelay $0x4  }
0x78: {  	[tilespmem:s21+$0x10] =	vst v2  }
0x79: {  	v2 =	vld [tilespmem:s23+$0xFFFFFFF0];
	_ =	sdelay $0x4  }
0x7a: {  	[tilespmem:s21+$0x20] =	vst v2  }
0x7b: {  	v2 =	vld [tilespmem:s23+$0x0]  }
.Ltmp1:
0x7c: {  	(pc) =	sbr.rel @p1 .LBB2_4-.Ltmp1, $2  }
0x7d: {  	_ =	sdelay $0x2  }
0x7e: {  	s23 =	sadd.s32 $0x100, s23;
	[tilespmem:s21+$0x30] =	vst v2  }
0x7f: {  	[spmem:s2] =	stream.indirect.scatter.add.f32 [tilespmem:s13], [sflag:$0x1], $0x1, s12, s11, $0xb8;
	[tilespmem:$0x13F00] =	vst v63  }
0x80: {  	s22 =	simm.s32 $0x4FF0  }
0x81: {  	v2 =	vld [tilespmem:s22+$0xFFFFFF90];
	_ =	sdelay $0x3  }
0x82: {  	s21 =	simm.s32 $0xC4C0  }
0x83: {  	[tilespmem:s21+$0xFFFFFFC0] =	vst v2  }
0x84: {  	v2 =	vld [tilespmem:s22+$0xFFFFFFA0];
	_ =	sdelay $0x4  }
0x85: {  	[tilespmem:s21+$0xFFFFFFD0] =	vst v2  }
0x86: {  	v2 =	vld [tilespmem:s22+$0xFFFFFFB0];
	_ =	sdelay $0x4  }
0x87: {  	[tilespmem:s21+$0xFFFFFFE0] =	vst v2  }
0x88: {  	v2 =	vld [tilespmem:s22+$0xFFFFFFC0];
	_ =	sdelay $0x4  }
0x89: {  	[tilespmem:s21+$0xFFFFFFF0] =	vst v2  }
0x8a: {  	v2 =	vld [tilespmem:s22+$0xFFFFFFD0];
	_ =	sdelay $0x4  }
0x8b: {  	[tilespmem:s21+$0x0] =	vst v2  }
0x8c: {  	v2 =	vld [tilespmem:s22+$0xFFFFFFE0];
	_ =	sdelay $0x4  }
0x8d: {  	[tilespmem:s21+$0x10] =	vst v2  }
0x8e: {  	v2 =	vld [tilespmem:s22+$0xFFFFFFF0];
	_ =	sdelay $0x4  }
0x8f: {  	[tilespmem:s21+$0x20] =	vst v2  }
0x90: {  	v2 =	vld [tilespmem:s22+$0x0];
	_ =	sdelay $0x4  }
0x91: {  	s23 =	simm.s32 $0x50F0;
	s22 =	simm.s32 $0x0;
	[tilespmem:s21+$0x30] =	vst v2  }
.LBB2_6:
0x92: {  	v2 =	vld [tilespmem:s23+$0xFFFFFF90];
	s22 =	sadd.s32 $0x8, s22  }
0x93: {  	p1 =	slt.u32 s22, $0x268;
	_ =	sdelay $0x2  }
0x94: {  	s21 =	sadd.s32 $0x80, s21  }
0x95: {  	[tilespmem:s21+$0xFFFFFFC0] =	vst v2  }
0x96: {  	v2 =	vld [tilespmem:s23+$0xFFFFFFA0];
	_ =	sdelay $0x4  }
0x97: {  	[tilespmem:s21+$0xFFFFFFD0] =	vst v2  }
0x98: {  	v2 =	vld [tilespmem:s23+$0xFFFFFFB0];
	_ =	sdelay $0x4  }
0x99: {  	[tilespmem:s21+$0xFFFFFFE0] =	vst v2  }
0x9a: {  	v2 =	vld [tilespmem:s23+$0xFFFFFFC0];
	_ =	sdelay $0x4  }
0x9b: {  	[tilespmem:s21+$0xFFFFFFF0] =	vst v2  }
0x9c: {  	v2 =	vld [tilespmem:s23+$0xFFFFFFD0];
	_ =	sdelay $0x4  }
0x9d: {  	[tilespmem:s21+$0x0] =	vst v2  }
0x9e: {  	v2 =	vld [tilespmem:s23+$0xFFFFFFE0];
	_ =	sdelay $0x4  }
0x9f: {  	[tilespmem:s21+$0x10] =	vst v2  }
0xa0: {  	v2 =	vld [tilespmem:s23+$0xFFFFFFF0];
	_ =	sdelay $0x4  }
0xa1: {  	[tilespmem:s21+$0x20] =	vst v2  }
0xa2: {  	v2 =	vld [tilespmem:s23+$0x0]  }
.Ltmp2:
0xa3: {  	(pc) =	sbr.rel @p1 .LBB2_6-.Ltmp2, $2  }
0xa4: {  	_ =	sdelay $0x2  }
0xa5: {  	s23 =	sadd.s32 $0x100, s23;
	[tilespmem:s21+$0x30] =	vst v2  }
0xa6: {  	[spmem:s2] =	stream.indirect.scatter.add.f32 [tilespmem:s16], [sflag:$0x2], $0x1, s15, s14, $0xb8;
	[tilespmem:$0x13F00] =	vst v63  }
0xa7: {  	_ =	swait.ge [sflag:s10], $0x2780  }
0xa8: {  	[sflag:s10] =	ssyncset.done $0x0  }
0xa9: {  	[sflag:s10] =	ssyncadd.s32 $0xFFFFD880  }
0xaa: {  	_ =	swait.ge [sflag:s17], $0x2700  }
0xab: {  	s21 =	sshll.u32 s1, $0x6;
	s20 =	sadd.s32 $0x1, s20;
	[sflag:s17] =	ssyncset.done $0x0  }
0xac: {  	s22 =	sshrl.u32 s5, $0x3;
	p1 =	sne.s32 s20, s7;
	[sflag:s17] =	ssyncadd.s32 $0xFFFFD900  }
.Ltmp3:
0xad: {  	s21 =	sor.u32 $0x1C03, s21;
	[bflag:$0x0] =	sbarrier.arrive $0xFFFF;
	(pc) =	sbr.rel @p1 .LBB2_1-.Ltmp3, $4  }
0xae: {  	[hbm:s6@s18], [sflag:s21] =	dma.strided [spmem:s22@s19], $0x50, s10, $0x10   }
0xaf: {  	_ =	swait.ge [sflag:s9], $0x50  }
0xb0: {  	[sflag:s9] =	ssyncset.done $0x0  }
0xb1: {  	[sflag:s9] =	ssyncadd.s32 $0xFFFFFFB0  }
0xb2: {  	_ =	sfence.sel $0x180000  }
0xb3: {  	[bflag:$0x0] =	sbarrier.arrive $0xFFFF  }
0xb4: {  	p0 =	sne.s32 s1, $0x0;
	_ =	strace $0x90000047  }
0xb5: {  	s0 =	sadd.s32 @!p0 $0x100000, s0;
	[bflag:$0x2] =	sbarrier.arrive $0xFFFF  }
0xb6: {  	[sflag:s0] =	ssyncadd.tile.s32 @!p0 $0x1;
	_ =	shalt  }
.Lfunc_end2:
_tile_overlayer_lowered:
.L_overlay_start_2:
0xb7: {  	(tag) =	ssettag $0x2  }
0xb8: {  	s0 =	rddreg [dreg:$0x0];
	s2 =	stileid.u32  }
0xb9: {  	s1 =	rddreg [dreg:$0x1];
	p0 =	sne.s32 s2, $0x0  }
0xba: {  	s3 =	rddreg [dreg:$0x2];
	[bflag:$0x3] =	sbarrier.arrive $0xFFFF;
	s2 =	simm.s32 @!p0 $0x1C03  }
0xbb: {  	[timem:s3], [sflag:s2] =	dma.local @!p0 [hbm:s0], s1  }
0xbc: {  	s0 =	simm.s32 @!p0 $0x3  }
0xbd: {  	_ =	swait.ge @!p0 [sflag:s0], s1  }
0xbe: {  	s1 =	ssub.s32 @!p0 $0x0, s1;
	[sflag:s0] =	ssyncset.done @!p0 $0x0  }
0xbf: {  	[sflag:s0] =	ssyncadd.s32 @!p0 s1  }
0xc0: {  	[bflag:$0x3] =	sbarrier.arrive $0xFFFF  }
0xc1: {  	_ =	shalt  }

// kernel: kernel.9.cloned.1.call-start
scs
__scs_entry_jumppad:
0x0: {  	(pc) =	sbr.rel $0x88, $3  }
0x1: {  	(tag) =	ssettag $0x0;
	lr =	simm.s32 $0x1  }
0x2: {  	[smem:$0x3F96] =	sst lr;
	_ =	strace $0xD0000000  }
0x3: {  	_ = 	snop  }
0x4: {  	_ = 	snop  }
0x5: {  	_ = 	snop  }
0x6: {  	_ = 	snop  }
0x7: {  	_ = 	snop  }
__scs_overlays_trampoline_lowered:
0x8: {  	[smem:$0x3FA5] =	sst s0  }
0x9: {  	[smem:$0x3FA6] =	sst s1  }
0xa: {  	[smem:$0x3FA7] =	sst s2  }
0xb: {  	[smem:$0x3FA8] =	sst s3  }
0xc: {  	[smem:$0x3FA9] =	sst s4  }
0xd: {  	[smem:$0x3FAA] =	sst s5  }
0xe: {  	[smem:$0x3FAB] =	sst s6  }
0xf: {  	[smem:$0x3FAC] =	sst s7  }
0x10: {  	[smem:$0x3FAD] =	sst s8  }
0x11: {  	[smem:$0x3FAE] =	sst s9;
	s0 =	simm.s32 @!p0 $0x0  }
0x12: {  	s1 =	sld [smem:$0x3F94];
	s0 =	simm.s32 @p0 $0x1  }
0x13: {  	[smem:$0x3FAF] =	sst s0;
	s0 =	simm.s32 @!p1 $0x0  }
0x14: {  	s2 =	sld [smem:$0x3F93];
	s0 =	simm.s32 @p1 $0x1  }
0x15: {  	[smem:$0x3FB0] =	sst s0;
	s0 =	simm.s32 @!p2 $0x0  }
0x16: {  	s3 =	sld [smem:$0x3FDB];
	s0 =	simm.s32 @p2 $0x1  }
0x17: {  	s4 =	simm.s32 $0x1BF5;
	[smem:$0x3FB2] =	sst s0  }
0x18: {  	s0 =	sld [smem:$0x3F95];
	_ =	swait.ge [sflag:s4], $0x0  }
0x19: {  	s7 =	sld [smem:$0x3F96]  }
0x1a: {  	s8 =	sadd.s32 $0xFFFFE003, lr  }
0x1b: {  	s9 =	sadd.s32 $0xFFFFFEF7, lr;
	s5 =	simm.s32 $0xFFFFFFFF;
	p2 =	slt.u32 s8, $0xFFFFF086  }
0x1c: {  	p1 =	slt.u32 s9, $0xF7A;
	s5 =	simm.s32 @!p2 $0x0  }
0x1d: {  	s5 =	simm.s32 @p1 $0x1;
	p0 =	seq.s32 s7, s2  }
0x1e: {  	s7 =	smul.u32 @!p0 $0xF7A, s2;
	p2 =	seq.s32 @!p0 s5, $0x0  }
0x1f: {  	s9 =	smul.u32 $0xF7A, s1;
	s8 =	simm.s32 @!p0 $0x1BF5;
	p2 =	por !p2, p0  }
0x20: {  	[sflag:s8] =	ssyncset.s32 @!p0 $0xFFFFF086;
	s6 =	sadd.s32 @!p0 s3, s7;
	s7 =	simm.s32 @!p0 $0x108  }
0x21: {  	s3 =	sadd.s32 s3, s9;
	s6 =	sadd.s32 @!p0 $0x88, s6;
	s7 =	simm.s32 @p2 $0x1082  }
0x22: {  	[simem:s7], [sflag:s8] =	dma.local @!p0 [hbm:s6], $0xF7A  }
0x23: {  	s9 =	sor.u32 $0xD0000000, s2;
	s6 =	simm.s32 $0x108;
	_ =	swait.ge @!p0 [sflag:s8], $0x0  }
0x24: {  	s3 =	sadd.s32 $0x88, s3;
	s6 =	simm.s32 @!p1 $0x1082;
	[sflag:s4] =	ssyncset.s32 $0xFFFFF086  }
0x25: {  	[simem:s6], [sflag:s4] =	dma.local [hbm:s3], $0xF7A  }
0x26: {  	[smem:$0x3F96] =	sst s1;
	(tag) =	ssettag s2;
	_ =	strace s9  }
0x27: {  	s1 =	sld [smem:$0x3FA6]  }
0x28: {  	s2 =	sld [smem:$0x3FA7]  }
0x29: {  	s4 =	sld [smem:$0x3FA9]  }
0x2a: {  	p0 =	seq.s32 s5, $0x0;
	s5 =	sld [smem:$0x3FAA]  }
0x2b: {  	s6 =	sld [smem:$0x3FAB]  }
0x2c: {  	s7 =	sld [smem:$0x3FAC]  }
0x2d: {  	s3 =	simm.s32 $0x108;
	s8 =	sld [smem:$0x3FAD]  }
0x2e: {  	s3 =	simm.s32 @!p0 $0x1082;
	s9 =	sld [smem:$0x3FAE]  }
0x2f: {  	lr =	sadd.s32 s0, s3;
	s0 =	sld [smem:$0x3FA5]  }
0x30: {  	s3 =	sld [smem:$0x3FA8]  }
0x31: {  	[smem:$0x3FB1] =	sst s10  }
0x32: {  	s10 =	sld [smem:$0x3FAF];
	_ =	sdelay $0x3  }
0x33: {  	p0 =	seq.s32 s10, $0x1;
	s10 =	sld [smem:$0x3FB1];
	_ =	sdelay $0x3  }
0x34: {  	[smem:$0x3FB1] =	sst s10  }
0x35: {  	s10 =	sld [smem:$0x3FB0];
	_ =	sdelay $0x3  }
0x36: {  	p1 =	seq.s32 s10, $0x1;
	s10 =	sld [smem:$0x3FB1];
	_ =	sdelay $0x3  }
0x37: {  	[smem:$0x3FB1] =	sst s10  }
0x38: {  	s10 =	sld [smem:$0x3FB2]  }
0x39: {  	_ = 	snop;
	(pc) =	sbr.ind lr, $3  }
0x3a: {  	_ = 	snop  }
0x3b: {  	_ = 	snop  }
0x3c: {  	p2 =	seq.s32 s10, $0x1;
	s10 =	sld [smem:$0x3FB1]  }
0x3d: {  	_ =	shalt  }
0x3e: {  	_ =	shalt  }
0x3f: {  	_ =	shalt  }
0x40: {  	_ =	shalt  }
0x41: {  	_ =	shalt  }
0x42: {  	_ =	shalt  }
0x43: {  	_ =	shalt  }
0x44: {  	_ =	shalt  }
0x45: {  	_ =	shalt  }
0x46: {  	_ =	shalt  }
0x47: {  	_ =	shalt  }
0x48: {  	_ =	shalt  }
0x49: {  	_ =	shalt  }
0x4a: {  	_ =	shalt  }
0x4b: {  	_ =	shalt  }
0x4c: {  	_ =	shalt  }
0x4d: {  	_ =	shalt  }
0x4e: {  	_ =	shalt  }
0x4f: {  	_ =	shalt  }
0x50: {  	_ =	shalt  }
0x51: {  	_ =	shalt  }
0x52: {  	_ =	shalt  }
0x53: {  	_ =	shalt  }
0x54: {  	_ =	shalt  }
0x55: {  	_ =	shalt  }
0x56: {  	_ =	shalt  }
0x57: {  	_ =	shalt  }
0x58: {  	_ =	shalt  }
0x59: {  	_ =	shalt  }
0x5a: {  	_ =	shalt  }
0x5b: {  	_ =	shalt  }
0x5c: {  	_ =	shalt  }
0x5d: {  	_ =	shalt  }
0x5e: {  	_ =	shalt  }
0x5f: {  	_ =	shalt  }
0x60: {  	_ =	shalt  }
0x61: {  	_ =	shalt  }
0x62: {  	_ =	shalt  }
0x63: {  	_ =	shalt  }
0x64: {  	_ =	shalt  }
0x65: {  	_ =	shalt  }
0x66: {  	_ =	shalt  }
0x67: {  	_ =	shalt  }
0x68: {  	_ =	shalt  }
0x69: {  	_ =	shalt  }
0x6a: {  	_ =	shalt  }
0x6b: {  	_ =	shalt  }
0x6c: {  	_ =	shalt  }
0x6d: {  	_ =	shalt  }
0x6e: {  	_ =	shalt  }
0x6f: {  	_ =	shalt  }
0x70: {  	_ =	shalt  }
0x71: {  	_ =	shalt  }
0x72: {  	_ =	shalt  }
0x73: {  	_ =	shalt  }
0x74: {  	_ =	shalt  }
0x75: {  	_ =	shalt  }
0x76: {  	_ =	shalt  }
0x77: {  	_ =	shalt  }
0x78: {  	_ =	shalt  }
0x79: {  	_ =	shalt  }
0x7a: {  	_ =	shalt  }
0x7b: {  	_ =	shalt  }
0x7c: {  	_ =	shalt  }
0x7d: {  	_ =	shalt  }
0x7e: {  	_ =	shalt  }
0x7f: {  	_ =	shalt  }
0x80: {  	_ =	shalt  }
0x81: {  	_ =	shalt  }
0x82: {  	_ =	shalt  }
0x83: {  	_ =	shalt  }
0x84: {  	_ =	shalt  }
0x85: {  	_ =	shalt  }
0x86: {  	_ =	shalt  }
0x87: {  	_ =	shalt  }
.Lfunc_end0:
.L_simem_size_0:
called_computation.1_lowered:
.L_overlay_start_0:
0x88: {  	s2 =	sld [smem:$0x3FD9]  }
0x89: {  	s3 =	sld [smem:$0x3FFE];
	_ =	sdelay $0x1  }
0x8a: {  	s1 =	srdreg.scid  }
0x8b: {  	s0 =	sand.u32 $0x1, s1  }
0x8c: {  	s17 =	sshll.u32 s0, $0xA;
	s2 =	sadd.s32 s3, s2  }
0x8d: {  	s2 =	sadd.s32 s2, s17  }
0x8e: {  	[smem:$0x3FBD] =	sst s2  }
0x8f: {  	_ = 	snop  }
0x90: {  	s2 =	sld [smem:$0x3FC8];
	(tm) =	ssettm $0x1  }
0x91: {  	s18 =	sld [smem:$0x3FFB];
	_ =	sdelay $0x3  }
0x92: {  	_ =	strace s18  }
0x93: {  	s3 =	sld [smem:$0x3FFC];
	_ =	sdelay $0x3  }
0x94: {  	_ =	strace s3  }
0x95: {  	s3 =	sld [smem:$0x3FFD];
	_ =	sdelay $0x3  }
0x96: {  	_ =	strace s3  }
0x97: {  	_ =	strace $0x8FFFFFFF  }
0x98: {  	s19 =	sld [smem:$0x3FDB];
	_ =	sdelay $0x1  }
0x99: {  	s4 =	simm.s32 $_scs_section_size  }
0x9a: {  	s5 =	simm.s32 $_size__tile_overlayer_lowered;
	s6 =	simm.s32 $_tile_overlayer_lowered  }
0x9b: {  	s22 =	simm.s32 $0x1BFF;
	s21 =	sshll.u32 s6, $0x1;
	s3 =	sadd.s32 s4, s19  }
0x9c: {  	s7 =	simm.s32 $0x0;
	s20 =	sshll.u32 s5, $0x1;
	s5 =	sadd.s32 s21, s3  }
0x9d: {  	[timem:s7], [sflag:s22] =	dma.local [hbm:s5], s20  }
0x9e: {  	_ =	swait.ge [sflag:s22], s20  }
0x9f: {  	s4 =	ssub.s32 $0x0, s20;
	[sflag:s22] =	ssyncset.done $0x0  }
0xa0: {  	[sflag:s22] =	ssyncadd.s32 s4;
	_ =	sdelay $0x1  }
0xa1: {  	s23 =	simm.s32 $0x1B8B  }
0xa2: {  	_ =	swait.ge [sflag:s23], $0x1  }
0xa3: {  	[sflag:s23] =	ssyncset.done $0x0  }
0xa4: {  	s25 =	simm.s32 $0x1B8E;
	s24 =	sld [smem:$0x3FFE];
	[sflag:s23] =	ssyncadd.s32 $0xFFFFFFFF  }
0xa5: {  	s26 =	simm.s32 $execute0_lowered;
	[smem:$0x3FD2] =	sst s25  }
0xa6: {  	s5 =	sshll.u32 s26, $0x1;
	_ =	strace $0x80000049;
	[dreg:$0x1] =	wrdreg $0xFFFFFFFF  }
0xa7: {  	s28 =	simm.s32 $_size_execute0_lowered;
	s3 =	sadd.s32 s3, s5;
	[dreg:$0x0] =	wrdreg $0x0  }
0xa8: {  	s5 =	sshll.u32 s28, $0x1;
	[dreg:$0x2] =	wrdreg s3  }
0xa9: {  	[dreg:$0x3] =	wrdreg s5  }
0xaa: {  	[dreg:$0x4] =	wrdreg $0xC0  }
0xab: {  	_ =	task [dreg:s7], $0x5FFFF  }
0xac: {  	[dreg:$0x1] =	wrdreg $0xFFFFFFFF  }
0xad: {  	[dreg:$0x0] =	wrdreg $0x60  }
0xae: {  	[dreg:$0x2] =	wrdreg s2  }
0xaf: {  	[dreg:$0x3] =	wrdreg s24  }
0xb0: {  	[dreg:$0x4] =	wrdreg $0x16E800  }
0xb1: {  	[dreg:$0x5] =	wrdreg $0x9  }
0xb2: {  	_ =	task.clear_ibuf [dreg:s7], $0x6FFFF;
	_ =	strace $0x90000049  }
0xb3: {  	s29 =	simm.s32 $0x9;
	_ =	strace $0x8000004B  }
0xb4: {  	_ =	swait.ge [sflag:s29], $0x1  }
0xb5: {  	[sflag:s29] =	ssyncadd.s32 $0xFFFFFFFF  }
0xb6: {  	_ =	strace $0x9000004B  }
0xb7: {  	_ =	sfence  }
0xb8: {  	s30 =	sld [smem:$0x0];
	_ =	sdelay $0x2  }
0xb9: {  	s31 =	sshll.u32 s1, $0xD;
	s1 =	sshrl.u32 s1, $0x2  }
0xba: {  	s3 =	sand.u32 $0x4000, s31;
	s1 =	sadd.s32 s1, s30  }
0xbb: {  	s0 =	sor.u32 s3, s0;
	s1 =	sshll.u32 s1, $0x11  }
0xbc: {  	s0 =	sor.u32 s1, s0  }
0xbd: {  	s0 =	sadd.s32 $0x8F2B, s0  }
0xbe: {  	[sflag:s0] =	ssyncadd.remote.s32 $0x1  }
0xbf: {  	_ =	sfence.sel $0xFFFF  }
0xc0: {  	[dreg:$0x0] =	wrdreg $0xFFFFFFFF;
	(pc) =	sbr.abs _section_cstart, $3  }
0xc1: {  	[dreg:$0x1] =	wrdreg $0xFFFFFFFF  }
0xc2: {  	_ =	task.clear_ibuf [dreg:s7], $0x2FFFF;
	_ =	strace $0x9FFFFFFF  }
0xc3: {  	(tm) =	ssettm $0x7FFFFFFF  }
tec
execute0_lowered:
.L_overlay_start_1:
0x0: {  	(tag) =	ssettag $0x1  }
0x1: {  	s0 =	rddreg [dreg:$0x0]  }
0x2: {  	s4 =	rddreg [dreg:$0x1]  }
0x3: {  	s2 =	rddreg [dreg:$0x2];
	s3 =	simm.s32 $0x0;
	s1 =	stileid.u32  }
0x4: {  	s5 =	srdreg.scid;
	s18 =	simm.s32 $0x100;
	s23 =	simm.s32 $0x1  }
0x5: {  	s24 =	simm.s32 $0x2;
	s30 =	simm.s32 $0x2700;
	s31 =	simm.s32 $0xC480  }
0x6: {  	s19 =	simm.s32 $0x0;
	[smem:$0x7FF] =	sst s3;
	s6 =	smul.u32 $0x280, s1  }
0x7: {  	s5 =	sand.u32 $0x1, s5;
	s8 =	smul.u32 $0x500, s1;
	s16 =	sadd.s32 $0x2E00, s4  }
0x8: {  	_ =	strace $0x8000004A;
	s11 =	sshll.u32 s5, $0x4;
	s25 =	sshll.u32 s5, $0x7  }
0x9: {  	s5 =	ssub.s32 $0x2, s5;
	s7 =	sshrl.u32 s6, $0x3;
	s14 =	sor.u32 s1, s11  }
0xa: {  	s12 =	sshrl.u32 s8, $0x3;
	s29 =	sshrl.u32 s5, $0x1;
	s6 =	sadd.s32 s6, s2  }
0xb: {  	s11 =	sadd.s32 s16, s11;
	s9 =	sadd.s32 s7, s4;
	s10 =	smul.u32 $0x9C, s14  }
0xc: {  	s7 =	sor.u32 s25, s8;
	s26 =	smax.u32 s14, $0x18;
	s12 =	sadd.s32 s12, s4  }
0xd: {  	s17 =	ssub.s32 s5, s29;
	p0 =	sgt.u32 s14, $0x17;
	s25 =	simm.s32 $0x13A00  }
0xe: {  	s14 =	simm.s32 $0x20;
	s13 =	sshrl.u32 s7, $0x3;
	s8 =	sadd.s32 $0x1E10, s12  }
0xf: {  	s9 =	sadd.s32 $0x2800, s9;
	s28 =	sadd.s32 s10, s26;
	s15 =	sadd.s32 s13, s4  }
0x10: {  	s10 =	sadd.s32 s16, s13;
	s13 =	smax.u32 s17, $0x1;
	s7 =	sshll.u32 s28, $0x5  }
0x11: {  	s16 =	simm.s32 $0x3;
	s17 =	simm.s32 $0x80;
	s0 =	sadd.s32 s0, s7  }
0x12: {  	s7 =	sadd.s32 $0x1E00, s12;
	s12 =	sadd.s32 $0x3800, s15;
	s15 =	simm.s32 $0x10  }
0x13: {  	v0 =	vimm.f32 $0.0e+00;
	s4 =	sadd.s32 $0xFFFFFD00, s0;
	s5 =	sadd.s32 $0x6E0, s0;
	s0 =	simm.s32 $0x11300  }
.LBB2_1:
0x14: {  	[tilespmem:s3], [sflag:$0x1] =	stream.linear.gather [hbm4b:s4+s3], $0x4F00, $0x38;
	[tilespmem:$0x17100] =	vst v63  }
0x15: {  	s20 =	simm.s32 $0x4F00  }
0x16: {  	[tilespmem:s20], [sflag:$0x2] =	stream.linear.gather [hbm4b:s5+s3], $0x4E00, $0x38;
	[tilespmem:$0x17100] =	vst v63  }
0x17: {  	[tilespmem:$0x16C00] =	vst v0  }
0x18: {  	[tilespmem:$0x16C10] =	vst v0  }
0x19: {  	[tilespmem:$0x16C20] =	vst v0  }
0x1a: {  	[tilespmem:$0x16C30] =	vst v0  }
0x1b: {  	[tilespmem:$0x16C40] =	vst v0  }
0x1c: {  	[tilespmem:$0x16C50] =	vst v0  }
0x1d: {  	[tilespmem:$0x16C60] =	vst v0  }
0x1e: {  	[tilespmem:$0x16C70] =	vst v0  }
0x1f: {  	[tilespmem:$0x16C80] =	vst v0  }
0x20: {  	[tilespmem:$0x16C90] =	vst v0  }
0x21: {  	[tilespmem:$0x16CA0] =	vst v0  }
0x22: {  	[tilespmem:$0x16CB0] =	vst v0  }
0x23: {  	[tilespmem:$0x16CC0] =	vst v0  }
0x24: {  	[tilespmem:$0x16CD0] =	vst v0  }
0x25: {  	[tilespmem:$0x16CE0] =	vst v0  }
0x26: {  	[tilespmem:$0x16CF0] =	vst v0  }
0x27: {  	[tilespmem:$0x16D00] =	vst v0  }
0x28: {  	[tilespmem:$0x16D10] =	vst v0  }
0x29: {  	[tilespmem:$0x16D20] =	vst v0  }
0x2a: {  	[tilespmem:$0x16D30] =	vst v0  }
0x2b: {  	[tilespmem:$0x16D40] =	vst v0  }
0x2c: {  	[tilespmem:$0x16D50] =	vst v0  }
0x2d: {  	[tilespmem:$0x16D60] =	vst v0  }
0x2e: {  	[tilespmem:$0x16D70] =	vst v0  }
0x2f: {  	[tilespmem:$0x16D80] =	vst v0  }
0x30: {  	[tilespmem:$0x16D90] =	vst v0  }
0x31: {  	[tilespmem:$0x16DA0] =	vst v0  }
0x32: {  	[tilespmem:$0x16DB0] =	vst v0  }
0x33: {  	[tilespmem:$0x16DC0] =	vst v0  }
0x34: {  	[tilespmem:$0x16DD0] =	vst v0  }
0x35: {  	[tilespmem:$0x16DE0] =	vst v0  }
0x36: {  	[tilespmem:$0x16DF0] =	vst v0  }
0x37: {  	[tilespmem:$0x16E00] =	vst v0  }
0x38: {  	[tilespmem:$0x16E10] =	vst v0  }
0x39: {  	[tilespmem:$0x16E20] =	vst v0  }
0x3a: {  	[tilespmem:$0x16E30] =	vst v0  }
0x3b: {  	[tilespmem:$0x16E40] =	vst v0  }
0x3c: {  	[tilespmem:$0x16E50] =	vst v0  }
0x3d: {  	[tilespmem:$0x16E60] =	vst v0  }
0x3e: {  	s26 =	simm.s32 $0x16C00;
	[tilespmem:$0x16E70] =	vst v0  }
0x3f: {  	[spmem:s6] =	stream.linear.scatter [tilespmem:s26], [sflag:$0x3], $0x280, $0x38;
	[tilespmem:$0x17100] =	vst v63  }
0x40: {  	_ =	swait.ge [sflag:s16], $0x280  }
0x41: {  	[sflag:s16] =	ssyncset.done $0x0  }
0x42: {  	s21 =	simm.s32 $0x16200;
	[sflag:s16] =	ssyncadd.s32 $0xFFFFFD80  }
0x43: {  	[tilespmem:s21], [sflag:$0x3] =	stream.strided.gather [hbm4b:s7+s17], $0x280, s18, s17, $0x38;
	[tilespmem:$0x17100] =	vst v63  }
0x44: {  	_ =	swait.ge [sflag:s16], $0x280  }
0x45: {  	[sflag:s16] =	ssyncset.done $0x0  }
0x46: {  	s22 =	simm.s32 $0x16480;
	[sflag:s16] =	ssyncadd.s32 $0xFFFFFD80  }
0x47: {  	[tilespmem:s22], [sflag:$0x3] =	stream.strided.gather [hbm4b:s8+s17], $0x280, s18, s17, $0x38;
	[tilespmem:$0x17100] =	vst v63  }
0x48: {  	_ =	swait.ge [sflag:s16], $0x280  }
0x49: {  	[sflag:s16] =	ssyncset.done $0x0  }
0x4a: {  	s26 =	simm.s32 $0x16700;
	[sflag:s16] =	ssyncadd.s32 $0xFFFFFD80  }
0x4b: {  	[tilespmem:s26], [sflag:$0x3] =	stream.linear.gather [hbm4b:s9+s3], $0x280, $0x38;
	[tilespmem:$0x17100] =	vst v63  }
0x4c: {  	_ =	swait.ge [sflag:s16], $0x280  }
0x4d: {  	[sflag:s16] =	ssyncset.done $0x0  }
0x4e: {  	s22 =	simm.s32 $0x16220;
	[sflag:s16] =	ssyncadd.s32 $0xFFFFFD80  }
0x4f: {  	s26 =	simm.s32 $0x164A0;
	v1 =	vld [tilespmem:s22+$0xFFFFFFE0]  }
0x50: {  	v2 =	vld [tilespmem:s26+$0xFFFFFFE0];
	_ =	sdelay $0x4  }
0x51: {  	v1 =	vadd.f32 v2, v1;
	_ =	sdelay $0x1  }
0x52: {  	v1 =	vadd.f32 $1.000000000e+00, v1;
	_ =	sdelay $0x1  }
0x53: {  	v2 =	vshra.s32 v1, $0x1;
	v1 =	vmul.f32 $5.000000000e-01, v1  }
0x54: {  	v2 =	vsub.s32 $0x5F3759DF, v2  }
0x55: {  	v3 =	vmul.f32 v2, v1;
	_ =	sdelay $0x1  }
0x56: {  	v3 =	vmul.f32 v2, v3;
	_ =	sdelay $0x1  }
0x57: {  	v3 =	vsub.f32 $1.500000000e+00, v3;
	_ =	sdelay $0x1  }
0x58: {  	v2 =	vmul.f32 v2, v3;
	_ =	sdelay $0x1  }
0x59: {  	v3 =	vmul.f32 v2, v1;
	_ =	sdelay $0x1  }
0x5a: {  	v3 =	vmul.f32 v3, v2;
	_ =	sdelay $0x1  }
0x5b: {  	v3 =	vsub.f32 $1.500000000e+00, v3;
	_ =	sdelay $0x1  }
0x5c: {  	v2 =	vmul.f32 v3, v2;
	_ =	sdelay $0x1  }
0x5d: {  	v1 =	vmul.f32 v2, v1;
	_ =	sdelay $0x1  }
0x5e: {  	s20 =	simm.s32 $0x16720;
	v1 =	vmul.f32 v1, v2  }
0x5f: {  	v3 =	vld [tilespmem:s20+$0xFFFFFFE0]  }
0x60: {  	v1 =	vsub.f32 $1.500000000e+00, v1;
	_ =	sdelay $0x1  }
0x61: {  	v1 =	vmul.f32 v1, v2;
	_ =	sdelay $0x1  }
0x62: {  	v1 =	vmul.f32 v1, v3  }
0x63: {  	s21 =	simm.s32 $0x169A0  }
0x64: {  	[tilespmem:s21+$0xFFFFFFE0] =	vst v1  }
0x65: {  	v1 =	vld [tilespmem:s26+$0xFFFFFFF0]  }
0x66: {  	v2 =	vld [tilespmem:s22+$0xFFFFFFF0];
	_ =	sdelay $0x4  }
0x67: {  	v1 =	vadd.f32 v1, v2;
	_ =	sdelay $0x1  }
0x68: {  	v1 =	vadd.f32 $1.000000000e+00, v1;
	_ =	sdelay $0x1  }
0x69: {  	v2 =	vshra.s32 v1, $0x1;
	v1 =	vmul.f32 $5.000000000e-01, v1  }
0x6a: {  	v2 =	vsub.s32 $0x5F3759DF, v2  }
0x6b: {  	v3 =	vmul.f32 v2, v1;
	_ =	sdelay $0x1  }
0x6c: {  	v3 =	vmul.f32 v2, v3;
	_ =	sdelay $0x1  }
0x6d: {  	v3 =	vsub.f32 $1.500000000e+00, v3;
	_ =	sdelay $0x1  }
0x6e: {  	v2 =	vmul.f32 v2, v3;
	_ =	sdelay $0x1  }
0x6f: {  	v3 =	vmul.f32 v2, v1;
	_ =	sdelay $0x1  }
0x70: {  	v3 =	vmul.f32 v3, v2;
	_ =	sdelay $0x1  }
0x71: {  	v3 =	vsub.f32 $1.500000000e+00, v3;
	_ =	sdelay $0x1  }
0x72: {  	v2 =	vmul.f32 v3, v2;
	_ =	sdelay $0x1  }
0x73: {  	v1 =	vmul.f32 v2, v1;
	_ =	sdelay $0x1  }
0x74: {  	v1 =	vmul.f32 v1, v2  }
0x75: {  	v3 =	vld [tilespmem:s20+$0xFFFFFFF0]  }
0x76: {  	v1 =	vsub.f32 $1.500000000e+00, v1;
	_ =	sdelay $0x1  }
0x77: {  	v1 =	vmul.f32 v1, v2;
	_ =	sdelay $0x1  }
0x78: {  	v1 =	vmul.f32 v1, v3;
	_ =	sdelay $0x1  }
0x79: {  	[tilespmem:s21+$0xFFFFFFF0] =	vst v1  }
0x7a: {  	v1 =	vld [tilespmem:s22+$0x0]  }
0x7b: {  	v2 =	vld [tilespmem:s26+$0x0];
	_ =	sdelay $0x4  }
0x7c: {  	v1 =	vadd.f32 v2, v1;
	_ =	sdelay $0x1  }
0x7d: {  	v1 =	vadd.f32 $1.000000000e+00, v1;
	_ =	sdelay $0x1  }
0x7e: {  	v2 =	vshra.s32 v1, $0x1;
	v1 =	vmul.f32 $5.000000000e-01, v1  }
0x7f: {  	v2 =	vsub.s32 $0x5F3759DF, v2  }
0x80: {  	v3 =	vmul.f32 v2, v1;
	_ =	sdelay $0x1  }
0x81: {  	v3 =	vmul.f32 v2, v3;
	_ =	sdelay $0x1  }
0x82: {  	v3 =	vsub.f32 $1.500000000e+00, v3;
	_ =	sdelay $0x1  }
0x83: {  	v2 =	vmul.f32 v2, v3;
	_ =	sdelay $0x1  }
0x84: {  	v3 =	vmul.f32 v2, v1;
	_ =	sdelay $0x1  }
0x85: {  	v3 =	vmul.f32 v3, v2;
	_ =	sdelay $0x1  }
0x86: {  	v3 =	vsub.f32 $1.500000000e+00, v3;
	_ =	sdelay $0x1  }
0x87: {  	v2 =	vmul.f32 v3, v2;
	_ =	sdelay $0x1  }
0x88: {  	v1 =	vmul.f32 v2, v1;
	_ =	sdelay $0x1  }
0x89: {  	v1 =	vmul.f32 v1, v2  }
0x8a: {  	v3 =	vld [tilespmem:s20+$0x0]  }
0x8b: {  	v1 =	vsub.f32 $1.500000000e+00, v1;
	_ =	sdelay $0x1  }
0x8c: {  	v1 =	vmul.f32 v1, v2;
	_ =	sdelay $0x1  }
0x8d: {  	v1 =	vmul.f32 v1, v3;
	_ =	sdelay $0x1  }
0x8e: {  	[tilespmem:s21+$0x0] =	vst v1  }
0x8f: {  	v1 =	vld [tilespmem:s22+$0x10]  }
0x90: {  	v2 =	vld [tilespmem:s26+$0x10];
	_ =	sdelay $0x4  }
0x91: {  	v1 =	vadd.f32 v2, v1;
	_ =	sdelay $0x1  }
0x92: {  	v1 =	vadd.f32 $1.000000000e+00, v1;
	_ =	sdelay $0x1  }
0x93: {  	v2 =	vshra.s32 v1, $0x1;
	v1 =	vmul.f32 $5.000000000e-01, v1  }
0x94: {  	v2 =	vsub.s32 $0x5F3759DF, v2  }
0x95: {  	v3 =	vmul.f32 v2, v1;
	_ =	sdelay $0x1  }
0x96: {  	v3 =	vmul.f32 v2, v3;
	_ =	sdelay $0x1  }
0x97: {  	v3 =	vsub.f32 $1.500000000e+00, v3;
	_ =	sdelay $0x1  }
0x98: {  	v2 =	vmul.f32 v2, v3;
	_ =	sdelay $0x1  }
0x99: {  	v3 =	vmul.f32 v2, v1;
	_ =	sdelay $0x1  }
0x9a: {  	v3 =	vmul.f32 v3, v2;
	_ =	sdelay $0x1  }
0x9b: {  	v3 =	vsub.f32 $1.500000000e+00, v3;
	_ =	sdelay $0x1  }
0x9c: {  	v2 =	vmul.f32 v3, v2;
	_ =	sdelay $0x1  }
0x9d: {  	v1 =	vmul.f32 v2, v1;
	_ =	sdelay $0x1  }
0x9e: {  	v1 =	vmul.f32 v1, v2;
	_ =	sdelay $0x1  }
0x9f: {  	v3 =	vsub.f32 $1.500000000e+00, v1;
	v1 =	vld [tilespmem:s20+$0x10];
	_ =	sdelay $0x1  }
0xa0: {  	s29 =	simm.s32 $0x16260  }
0xa1: {  	s28 =	simm.s32 $0x169A0;
	s22 =	simm.s32 $0x0;
	s26 =	simm.s32 $0x164E0;
	v2 =	vmul.f32 v3, v2  }
.LBB2_2:
0xa2: {  	s22 =	sadd.s32 $0x4, s22;
	s21 =	sadd.s32 $0x40, s21;
	s20 =	sadd.s32 $0x40, s20  }
0xa3: {  	p1 =	slt.u32 s22, $0x24;
	v1 =	vmul.f32 v2, v1;
	_ =	sdelay $0x1  }
0xa4: {  	[tilespmem:s28+$0x10] =	vst v1;
	s28 =	smov.u32 s21  }
0xa5: {  	v1 =	vld [tilespmem:s29+$0xFFFFFFE0]  }
0xa6: {  	v2 =	vld [tilespmem:s26+$0xFFFFFFE0];
	_ =	sdelay $0x4  }
0xa7: {  	v1 =	vadd.f32 v2, v1;
	_ =	sdelay $0x1  }
0xa8: {  	v1 =	vadd.f32 $1.000000000e+00, v1;
	_ =	sdelay $0x1  }
0xa9: {  	v2 =	vshra.s32 v1, $0x1;
	v1 =	vmul.f32 $5.000000000e-01, v1  }
0xaa: {  	v2 =	vsub.s32 $0x5F3759DF, v2  }
0xab: {  	v3 =	vmul.f32 v2, v1;
	_ =	sdelay $0x1  }
0xac: {  	v3 =	vmul.f32 v2, v3;
	_ =	sdelay $0x1  }
0xad: {  	v3 =	vsub.f32 $1.500000000e+00, v3;
	_ =	sdelay $0x1  }
0xae: {  	v2 =	vmul.f32 v2, v3;
	_ =	sdelay $0x1  }
0xaf: {  	v3 =	vmul.f32 v2, v1;
	_ =	sdelay $0x1  }
0xb0: {  	v3 =	vmul.f32 v3, v2;
	_ =	sdelay $0x1  }
0xb1: {  	v3 =	vsub.f32 $1.500000000e+00, v3;
	_ =	sdelay $0x1  }
0xb2: {  	v2 =	vmul.f32 v3, v2;
	_ =	sdelay $0x1  }
0xb3: {  	v1 =	vmul.f32 v2, v1;
	_ =	sdelay $0x1  }
0xb4: {  	v1 =	vmul.f32 v1, v2  }
0xb5: {  	v3 =	vld [tilespmem:s20+$0xFFFFFFE0]  }
0xb6: {  	v1 =	vsub.f32 $1.500000000e+00, v1;
	_ =	sdelay $0x1  }
0xb7: {  	v1 =	vmul.f32 v1, v2;
	_ =	sdelay $0x1  }
0xb8: {  	v1 =	vmul.f32 v1, v3;
	_ =	sdelay $0x1  }
0xb9: {  	[tilespmem:s21+$0xFFFFFFE0] =	vst v1  }
0xba: {  	v1 =	vld [tilespmem:s26+$0xFFFFFFF0]  }
0xbb: {  	v2 =	vld [tilespmem:s29+$0xFFFFFFF0];
	_ =	sdelay $0x4  }
0xbc: {  	v1 =	vadd.f32 v1, v2;
	_ =	sdelay $0x1  }
0xbd: {  	v1 =	vadd.f32 $1.000000000e+00, v1;
	_ =	sdelay $0x1  }
0xbe: {  	v2 =	vshra.s32 v1, $0x1;
	v1 =	vmul.f32 $5.000000000e-01, v1  }
0xbf: {  	v2 =	vsub.s32 $0x5F3759DF, v2  }
0xc0: {  	v3 =	vmul.f32 v2, v1;
	_ =	sdelay $0x1  }
0xc1: {  	v3 =	vmul.f32 v2, v3;
	_ =	sdelay $0x1  }
0xc2: {  	v3 =	vsub.f32 $1.500000000e+00, v3;
	_ =	sdelay $0x1  }
0xc3: {  	v2 =	vmul.f32 v2, v3;
	_ =	sdelay $0x1  }
0xc4: {  	v3 =	vmul.f32 v2, v1;
	_ =	sdelay $0x1  }
0xc5: {  	v3 =	vmul.f32 v3, v2;
	_ =	sdelay $0x1  }
0xc6: {  	v3 =	vsub.f32 $1.500000000e+00, v3;
	_ =	sdelay $0x1  }
0xc7: {  	v2 =	vmul.f32 v3, v2;
	_ =	sdelay $0x1  }
0xc8: {  	v1 =	vmul.f32 v2, v1;
	_ =	sdelay $0x1  }
0xc9: {  	v3 =	vld [tilespmem:s20+$0xFFFFFFF0];
	v1 =	vmul.f32 v1, v2;
	_ =	sdelay $0x1  }
0xca: {  	v1 =	vsub.f32 $1.500000000e+00, v1;
	_ =	sdelay $0x1  }
0xcb: {  	v1 =	vmul.f32 v1, v2;
	_ =	sdelay $0x1  }
0xcc: {  	v1 =	vmul.f32 v1, v3;
	_ =	sdelay $0x1  }
0xcd: {  	[tilespmem:s21+$0xFFFFFFF0] =	vst v1  }
0xce: {  	v1 =	vld [tilespmem:s29+$0x0]  }
0xcf: {  	v2 =	vld [tilespmem:s26+$0x0];
	_ =	sdelay $0x4  }
0xd0: {  	v1 =	vadd.f32 v2, v1;
	_ =	sdelay $0x1  }
0xd1: {  	v1 =	vadd.f32 $1.000000000e+00, v1;
	_ =	sdelay $0x1  }
0xd2: {  	v2 =	vshra.s32 v1, $0x1;
	v1 =	vmul.f32 $5.000000000e-01, v1  }
0xd3: {  	v2 =	vsub.s32 $0x5F3759DF, v2  }
0xd4: {  	v3 =	vmul.f32 v2, v1;
	_ =	sdelay $0x1  }
0xd5: {  	v3 =	vmul.f32 v2, v3;
	_ =	sdelay $0x1  }
0xd6: {  	v3 =	vsub.f32 $1.500000000e+00, v3;
	_ =	sdelay $0x1  }
0xd7: {  	v2 =	vmul.f32 v2, v3;
	_ =	sdelay $0x1  }
0xd8: {  	v3 =	vmul.f32 v2, v1;
	_ =	sdelay $0x1  }
0xd9: {  	v3 =	vmul.f32 v3, v2;
	_ =	sdelay $0x1  }
0xda: {  	v3 =	vsub.f32 $1.500000000e+00, v3;
	_ =	sdelay $0x1  }
0xdb: {  	v2 =	vmul.f32 v3, v2;
	_ =	sdelay $0x1  }
0xdc: {  	v1 =	vmul.f32 v2, v1  }
0xdd: {  	v3 =	vld [tilespmem:s20+$0x0]  }
0xde: {  	v1 =	vmul.f32 v1, v2;
	_ =	sdelay $0x1  }
0xdf: {  	v1 =	vsub.f32 $1.500000000e+00, v1;
	_ =	sdelay $0x1  }
0xe0: {  	v1 =	vmul.f32 v1, v2;
	_ =	sdelay $0x1  }
0xe1: {  	v1 =	vmul.f32 v1, v3;
	_ =	sdelay $0x1  }
0xe2: {  	[tilespmem:s21+$0x0] =	vst v1  }
0xe3: {  	v2 =	vld [tilespmem:s29+$0x10]  }
0xe4: {  	v3 =	vld [tilespmem:s26+$0x10]  }
0xe5: {  	v1 =	vld [tilespmem:s20+$0x10];
	_ =	sdelay $0x3  }
0xe6: {  	v2 =	vadd.f32 v3, v2;
	_ =	sdelay $0x1  }
0xe7: {  	v2 =	vadd.f32 $1.000000000e+00, v2;
	_ =	sdelay $0x1  }
0xe8: {  	v3 =	vshra.s32 v2, $0x1;
	v2 =	vmul.f32 $5.000000000e-01, v2  }
0xe9: {  	v3 =	vsub.s32 $0x5F3759DF, v3  }
0xea: {  	v4 =	vmul.f32 v3, v2;
	_ =	sdelay $0x1  }
0xeb: {  	v4 =	vmul.f32 v3, v4;
	_ =	sdelay $0x1  }
0xec: {  	v4 =	vsub.f32 $1.500000000e+00, v4;
	_ =	sdelay $0x1  }
0xed: {  	v3 =	vmul.f32 v3, v4;
	_ =	sdelay $0x1  }
0xee: {  	v4 =	vmul.f32 v3, v2;
	_ =	sdelay $0x1  }
0xef: {  	v4 =	vmul.f32 v4, v3;
	_ =	sdelay $0x1  }
0xf0: {  	v4 =	vsub.f32 $1.500000000e+00, v4;
	_ =	sdelay $0x1  }
0xf1: {  	v3 =	vmul.f32 v4, v3;
	_ =	sdelay $0x1  }
0xf2: {  	v2 =	vmul.f32 v3, v2;
	_ =	sdelay $0x1  }
.Ltmp0:
0xf3: {  	v2 =	vmul.f32 v2, v3;
	(pc) =	sbr.rel @p1 .LBB2_2-.Ltmp0, $3  }
0xf4: {  	_ = 	snop  }
0xf5: {  	v2 =	vsub.f32 $1.500000000e+00, v2;
	_ =	sdelay $0x1  }
0xf6: {  	s29 =	sadd.s32 $0x40, s29;
	s26 =	sadd.s32 $0x40, s26;
	v2 =	vmul.f32 v2, v3  }
0xf7: {  	_ = 	snop  }
0xf8: {  	v1 =	vmul.f32 v2, v1;
	_ =	sdelay $0x1  }
0xf9: {  	s20 =	simm.s32 $0x80;
	s21 =	simm.s32 $0x16980;
	[tilespmem:s28+$0x10] =	vst v1  }
0xfa: {  	[hbm4b:s10+s20] =	stream.strided.scatter [tilespmem:s21], [sflag:$0x3], $0x280, s18, s20, $0x38;
	[tilespmem:$0x17100] =	vst v63  }
0xfb: {  	_ =	swait.ge [sflag:s16], $0x280  }
0xfc: {  	[sflag:s16] =	ssyncset.done $0x0  }
0xfd: {  	[sflag:s16] =	ssyncadd.s32 $0xFFFFFD80  }
0xfe: {  	_ =	swait.ge [sflag:s23], $0x4F00  }
0xff: {  	[sflag:s23] =	ssyncset.done $0x0  }
0x100: {  	[sflag:s23] =	ssyncadd.s32 $0xFFFFB100  }
0x101: {  	_ =	swait.ge [sflag:s24], $0x4E00  }
0x102: {  	[sflag:s24] =	ssyncset.done $0x0  }
0x103: {  	[sflag:s24] =	ssyncadd.s32 $0xFFFFB200  }
0x104: {  	[bflag:$0x0] =	sbarrier.arrive $0xFFFF  }
0x105: {  	[tilespmem:s25], [sflag:$0x3] =	stream.strided.gather [hbm4b:s11+s20], $0x2800, s18, s20, $0x38;
	[tilespmem:$0x17100] =	vst v63  }
0x106: {  	_ =	swait.ge [sflag:s16], $0x2800  }
0x107: {  	s22 =	simm.s32 $0x9D40;
	[sflag:s16] =	ssyncset.done $0x0  }
0x108: {  	s26 =	simm.s32 $0xEBC0;
	s21 =	simm.s32 $0xFFFFFFF8;
	[sflag:s16] =	ssyncadd.s32 $0xFFFFD800  }
.LBB2_4:
0x109: {  	v1 =	vld [tilespmem:s20+$0xFFFFFF80];
	_ =	sdelay $0x7  }
0x10a: {  	v1 =	vld.idx.msk [tilespmem:v1+s25+$0x0], $0xffff;
	_ =	sdelay $0x4  }
0x10b: {  	[tilespmem:s26+$0xFFFFFFC0] =	vst v1  }
0x10c: {  	v1 =	vld [tilespmem:s20+$0x0];
	_ =	sdelay $0x4  }
0x10d: {  	[tilespmem:s22+$0xFFFFFFC0] =	vst v1  }
0x10e: {  	v1 =	vld [tilespmem:s20+$0xFFFFFF90];
	_ =	sdelay $0x7  }
0x10f: {  	v1 =	vld.idx.msk [tilespmem:v1+s25+$0x0], $0xffff;
	_ =	sdelay $0x4  }
0x110: {  	[tilespmem:s26+$0xFFFFFFD0] =	vst v1  }
0x111: {  	v1 =	vld [tilespmem:s20+$0x10];
	_ =	sdelay $0x4  }
0x112: {  	[tilespmem:s22+$0xFFFFFFD0] =	vst v1  }
0x113: {  	v1 =	vld [tilespmem:s20+$0xFFFFFFA0];
	_ =	sdelay $0x7  }
0x114: {  	v1 =	vld.idx.msk [tilespmem:v1+s25+$0x0], $0xffff;
	_ =	sdelay $0x4  }
0x115: {  	[tilespmem:s26+$0xFFFFFFE0] =	vst v1  }
0x116: {  	v1 =	vld [tilespmem:s20+$0x20];
	_ =	sdelay $0x4  }
0x117: {  	[tilespmem:s22+$0xFFFFFFE0] =	vst v1  }
0x118: {  	v1 =	vld [tilespmem:s20+$0xFFFFFFB0];
	_ =	sdelay $0x7  }
0x119: {  	v1 =	vld.idx.msk [tilespmem:v1+s25+$0x0], $0xffff;
	_ =	sdelay $0x4  }
0x11a: {  	[tilespmem:s26+$0xFFFFFFF0] =	vst v1  }
0x11b: {  	v1 =	vld [tilespmem:s20+$0x30];
	_ =	sdelay $0x4  }
0x11c: {  	[tilespmem:s22+$0xFFFFFFF0] =	vst v1  }
0x11d: {  	v1 =	vld [tilespmem:s20+$0xFFFFFFC0];
	_ =	sdelay $0x7  }
0x11e: {  	v1 =	vld.idx.msk [tilespmem:v1+s25+$0x0], $0xffff;
	_ =	sdelay $0x4  }
0x11f: {  	[tilespmem:s26+$0x0] =	vst v1  }
0x120: {  	v1 =	vld [tilespmem:s20+$0x40];
	_ =	sdelay $0x4  }
0x121: {  	[tilespmem:s22+$0x0] =	vst v1  }
0x122: {  	v1 =	vld [tilespmem:s20+$0xFFFFFFD0];
	_ =	sdelay $0x7  }
0x123: {  	v1 =	vld.idx.msk [tilespmem:v1+s25+$0x0], $0xffff;
	_ =	sdelay $0x4  }
0x124: {  	[tilespmem:s26+$0x10] =	vst v1  }
0x125: {  	v1 =	vld [tilespmem:s20+$0x50];
	_ =	sdelay $0x4  }
0x126: {  	[tilespmem:s22+$0x10] =	vst v1  }
0x127: {  	v1 =	vld [tilespmem:s20+$0xFFFFFFE0];
	_ =	sdelay $0x7  }
0x128: {  	v1 =	vld.idx.msk [tilespmem:v1+s25+$0x0], $0xffff;
	_ =	sdelay $0x4  }
0x129: {  	[tilespmem:s26+$0x20] =	vst v1  }
0x12a: {  	v1 =	vld [tilespmem:s20+$0x60];
	_ =	sdelay $0x4  }
0x12b: {  	[tilespmem:s22+$0x20] =	vst v1  }
0x12c: {  	v1 =	vld [tilespmem:s20+$0xFFFFFFF0];
	_ =	sdelay $0x7  }
0x12d: {  	v1 =	vld.idx.msk [tilespmem:v1+s25+$0x0], $0xffff;
	_ =	sdelay $0x4  }
0x12e: {  	s21 =	sadd.s32 $0x8, s21;
	[tilespmem:s26+$0x30] =	vst v1  }
0x12f: {  	p1 =	slt.u32 s21, $0x270;
	v1 =	vld [tilespmem:s20+$0x70]  }
.Ltmp1:
0x130: {  	_ = 	snop;
	(pc) =	sbr.rel @p1 .LBB2_4-.Ltmp1, $2  }
0x131: {  	_ =	sdelay $0x2  }
0x132: {  	s26 =	sadd.s32 $0x80, s26;
	s20 =	sadd.s32 $0x100, s20;
	[tilespmem:s22+$0x30] =	vst v1;
	s22 =	sadd.s32 $0x80, s22  }
0x133: {  	s20 =	simm.s32 $0x2780  }
0x134: {  	s21 =	simm.s32 $0x9D00;
	s22 =	simm.s32 $0xEB80;
	s26 =	simm.s32 $0x11340  }
0x135: {  	[spmem:s2] =	stream.indirect.scatter.add.f32 [tilespmem:s22], [sflag:$0x1], $0x1, s21, s20, $0xb8;
	[tilespmem:$0x17100] =	vst v63  }
0x136: {  	s20 =	simm.s32 $0xFFFFFFF8;
	s21 =	simm.s32 $0x4F80;
	s22 =	simm.s32 $0xC4C0  }
.LBB2_6:
0x137: {  	v1 =	vld [tilespmem:s21+$0xFFFFFF80];
	_ =	sdelay $0x7  }
0x138: {  	v1 =	vld.idx.msk [tilespmem:v1+s25+$0x0], $0xffff;
	_ =	sdelay $0x4  }
0x139: {  	[tilespmem:s26+$0xFFFFFFC0] =	vst v1  }
0x13a: {  	v1 =	vld [tilespmem:s21+$0x0];
	_ =	sdelay $0x4  }
0x13b: {  	[tilespmem:s22+$0xFFFFFFC0] =	vst v1  }
0x13c: {  	v1 =	vld [tilespmem:s21+$0xFFFFFF90];
	_ =	sdelay $0x7  }
0x13d: {  	v1 =	vld.idx.msk [tilespmem:v1+s25+$0x0], $0xffff;
	_ =	sdelay $0x4  }
0x13e: {  	[tilespmem:s26+$0xFFFFFFD0] =	vst v1  }
0x13f: {  	v1 =	vld [tilespmem:s21+$0x10];
	_ =	sdelay $0x4  }
0x140: {  	[tilespmem:s22+$0xFFFFFFD0] =	vst v1  }
0x141: {  	v1 =	vld [tilespmem:s21+$0xFFFFFFA0];
	_ =	sdelay $0x7  }
0x142: {  	v1 =	vld.idx.msk [tilespmem:v1+s25+$0x0], $0xffff;
	_ =	sdelay $0x4  }
0x143: {  	[tilespmem:s26+$0xFFFFFFE0] =	vst v1  }
0x144: {  	v1 =	vld [tilespmem:s21+$0x20];
	_ =	sdelay $0x4  }
0x145: {  	[tilespmem:s22+$0xFFFFFFE0] =	vst v1  }
0x146: {  	v1 =	vld [tilespmem:s21+$0xFFFFFFB0];
	_ =	sdelay $0x7  }
0x147: {  	v1 =	vld.idx.msk [tilespmem:v1+s25+$0x0], $0xffff;
	_ =	sdelay $0x4  }
0x148: {  	[tilespmem:s26+$0xFFFFFFF0] =	vst v1  }
0x149: {  	v1 =	vld [tilespmem:s21+$0x30];
	_ =	sdelay $0x4  }
0x14a: {  	[tilespmem:s22+$0xFFFFFFF0] =	vst v1  }
0x14b: {  	v1 =	vld [tilespmem:s21+$0xFFFFFFC0];
	_ =	sdelay $0x7  }
0x14c: {  	v1 =	vld.idx.msk [tilespmem:v1+s25+$0x0], $0xffff;
	_ =	sdelay $0x4  }
0x14d: {  	[tilespmem:s26+$0x0] =	vst v1  }
0x14e: {  	v1 =	vld [tilespmem:s21+$0x40];
	_ =	sdelay $0x4  }
0x14f: {  	[tilespmem:s22+$0x0] =	vst v1  }
0x150: {  	v1 =	vld [tilespmem:s21+$0xFFFFFFD0];
	_ =	sdelay $0x7  }
0x151: {  	v1 =	vld.idx.msk [tilespmem:v1+s25+$0x0], $0xffff;
	_ =	sdelay $0x4  }
0x152: {  	[tilespmem:s26+$0x10] =	vst v1  }
0x153: {  	v1 =	vld [tilespmem:s21+$0x50];
	_ =	sdelay $0x4  }
0x154: {  	[tilespmem:s22+$0x10] =	vst v1  }
0x155: {  	v1 =	vld [tilespmem:s21+$0xFFFFFFE0];
	_ =	sdelay $0x7  }
0x156: {  	v1 =	vld.idx.msk [tilespmem:v1+s25+$0x0], $0xffff;
	_ =	sdelay $0x4  }
0x157: {  	[tilespmem:s26+$0x20] =	vst v1  }
0x158: {  	v1 =	vld [tilespmem:s21+$0x60];
	_ =	sdelay $0x4  }
0x159: {  	[tilespmem:s22+$0x20] =	vst v1  }
0x15a: {  	v1 =	vld [tilespmem:s21+$0xFFFFFFF0];
	_ =	sdelay $0x7  }
0x15b: {  	v1 =	vld.idx.msk [tilespmem:v1+s25+$0x0], $0xffff;
	_ =	sdelay $0x4  }
0x15c: {  	s20 =	sadd.s32 $0x8, s20;
	[tilespmem:s26+$0x30] =	vst v1  }
0x15d: {  	p1 =	slt.u32 s20, $0x268;
	v1 =	vld [tilespmem:s21+$0x70]  }
.Ltmp2:
0x15e: {  	_ = 	snop;
	(pc) =	sbr.rel @p1 .LBB2_6-.Ltmp2, $2  }
0x15f: {  	_ =	sdelay $0x2  }
0x160: {  	s26 =	sadd.s32 $0x80, s26;
	s21 =	sadd.s32 $0x100, s21;
	[tilespmem:s22+$0x30] =	vst v1;
	s22 =	sadd.s32 $0x80, s22  }
0x161: {  	v1 =	vimm.f32 @!p0 $0.0e+00  }
0x162: {  	[tilespmem:$0x13980] =	vst @!p0 v1  }
0x163: {  	[tilespmem:$0x13990] =	vst @!p0 v1  }
0x164: {  	[tilespmem:$0x139A0] =	vst @!p0 v1  }
0x165: {  	[tilespmem:$0x139B0] =	vst @!p0 v1  }
0x166: {  	[tilespmem:$0x139C0] =	vst @!p0 v1  }
0x167: {  	[tilespmem:$0x139D0] =	vst @!p0 v1  }
0x168: {  	[tilespmem:$0x139E0] =	vst @!p0 v1  }
0x169: {  	[tilespmem:$0x139F0] =	vst @!p0 v1  }
0x16a: {  	[spmem:s2] =	stream.indirect.scatter.add.f32 [tilespmem:s0], [sflag:$0x2], $0x1, s31, s30, $0xb8;
	[tilespmem:$0x17100] =	vst v63  }
0x16b: {  	_ =	swait.ge [sflag:s23], $0x2780  }
0x16c: {  	[sflag:s23] =	ssyncset.done $0x0  }
0x16d: {  	[sflag:s23] =	ssyncadd.s32 $0xFFFFD880  }
0x16e: {  	_ =	swait.ge [sflag:s24], $0x2700  }
0x16f: {  	s20 =	sshll.u32 s1, $0x6;
	s19 =	sadd.s32 $0x1, s19;
	[sflag:s24] =	ssyncset.done $0x0  }
0x170: {  	s21 =	sshrl.u32 s6, $0x3;
	p1 =	sne.s32 s19, s13;
	[sflag:s24] =	ssyncadd.s32 $0xFFFFD900  }
.Ltmp3:
0x171: {  	s20 =	sor.u32 $0x1C03, s20;
	[bflag:$0x0] =	sbarrier.arrive $0xFFFF;
	(pc) =	sbr.rel @p1 .LBB2_1-.Ltmp3, $4  }
0x172: {  	[hbm:s12@s14], [sflag:s20] =	dma.strided [spmem:s21@s15], $0x50, s23, $0x10   }
0x173: {  	_ =	swait.ge [sflag:s16], $0x50  }
0x174: {  	[sflag:s16] =	ssyncset.done $0x0  }
0x175: {  	[sflag:s16] =	ssyncadd.s32 $0xFFFFFFB0  }
0x176: {  	_ =	sfence.sel $0x180000  }
0x177: {  	[bflag:$0x0] =	sbarrier.arrive $0xFFFF  }
0x178: {  	_ =	strace $0x9000004A  }
0x179: {  	[bflag:$0x2] =	sbarrier.arrive $0xFFFF  }
0x17a: {  	p0 =	sne.s32 s1, $0x0;
	s0 =	rddreg [dreg:$0x3]  }
0x17b: {  	s0 =	sadd.s32 @!p0 $0x100000, s0  }
0x17c: {  	[sflag:s0] =	ssyncadd.tile.s32 @!p0 $0x1;
	_ =	shalt  }
.Lfunc_end2:
_tile_overlayer_lowered:
.L_overlay_start_2:
0x17d: {  	(tag) =	ssettag $0x2  }
0x17e: {  	s0 =	rddreg [dreg:$0x0];
	s2 =	stileid.u32  }
0x17f: {  	s1 =	rddreg [dreg:$0x1];
	p0 =	sne.s32 s2, $0x0  }
0x180: {  	s3 =	rddreg [dreg:$0x2];
	[bflag:$0x3] =	sbarrier.arrive $0xFFFF;
	s2 =	simm.s32 @!p0 $0x1C03  }
0x181: {  	[timem:s3], [sflag:s2] =	dma.local @!p0 [hbm:s0], s1  }
0x182: {  	s0 =	simm.s32 @!p0 $0x3  }
0x183: {  	_ =	swait.ge @!p0 [sflag:s0], s1  }
0x184: {  	s1 =	ssub.s32 @!p0 $0x0, s1;
	[sflag:s0] =	ssyncset.done @!p0 $0x0  }
0x185: {  	[sflag:s0] =	ssyncadd.s32 @!p0 s1  }
0x186: {  	[bflag:$0x3] =	sbarrier.arrive $0xFFFF  }
0x187: {  	_ =	shalt  }

</sc_bundles>
